<compile_context>
chip_gen: v7x
topology: tpu7x:2x2x1
jax: 0.10.2.dev20260603
libtpu: 0.0.44.dev20260713+nightly
codegen_flags: <defaults>
</compile_context>

<pallas_src>
import functools

import jax
import jax.numpy as jnp
from jax.experimental import pallas as pl
from jax.experimental.pallas import tpu as pltpu
from jax.experimental.pallas import tpu_sc as plsc

SC_CORES = 2
SC_SUBCORES = 16

K_OUT = 100
G = 512
NBUF = 3
DUP_SENT = -1e37
SEL_SENT = -2e37


def _score_kernel(pids_smem, q_ref, vec_ref, out_ref, dbuf, sems, *, g):
    doc_len, dim = vec_ref.shape[1], vec_ref.shape[2]
    nkg = pl.num_programs(1)
    n_steps = pl.num_programs(0) * nkg
    step = pl.program_id(0) * nkg + pl.program_id(1)
    slot = jax.lax.rem(step, NBUF)
    nslot = jax.lax.rem(step + NBUF - 1, NBUF)

    def issue(s, buf_slot):
        bb = s // nkg
        kk = s - bb * nkg
        for i in range(g):
            pid = pids_smem[bb, kk * g + i]
            pltpu.make_async_copy(
                vec_ref.at[pid],
                dbuf.at[buf_slot, i],
                sems.at[buf_slot],
            ).start()

    @pl.when(step == 0)
    def _():
        for p in range(NBUF - 1):
            issue(p, p)

    @pl.when(step + NBUF - 1 < n_steps)
    def _():
        issue(step + NBUF - 1, nslot)

    pltpu.make_async_copy(
        vec_ref.at[pl.ds(0, g)],
        dbuf.at[slot],
        sems.at[slot],
    ).wait()

    q = q_ref[0]
    d = dbuf[slot].reshape(g * doc_len, dim)
    s = jax.lax.dot_general(d, q, (((1,), (1,)), ((), ())),
                            preferred_element_type=jnp.float32)
    q_len = s.shape[1]
    m = jnp.max(s.reshape(g, doc_len, q_len), axis=1)
    out_ref[0, 0, :, :] = jnp.sum(m, axis=1, keepdims=True)


def _sc_gather(table, idx, ch=16):
    nw = SC_CORES * SC_SUBCORES
    bk = idx.shape[0]
    d = table.shape[1]
    b_per_w = bk // nw
    n_ch = b_per_w // ch
    idx3 = idx.reshape(nw, n_ch, ch)
    mesh = plsc.VectorSubcoreMesh(core_axis_name="c", subcore_axis_name="s")

    @functools.partial(
        pl.kernel, mesh=mesh,
        out_type=jax.ShapeDtypeStruct((bk, d), jnp.float32),
        scratch_types=[
            pltpu.VMEM((n_ch, ch), jnp.int32),
            pltpu.VMEM((ch, d), jnp.float32),
            pltpu.SemaphoreType.DMA,
        ],
    )
    def k(table_hbm, idx_hbm, out_hbm, idx_v, rows_v, sem):
        wid = jax.lax.axis_index("s") * SC_CORES + jax.lax.axis_index("c")
        base = wid * b_per_w
        pltpu.sync_copy(idx_hbm.at[wid], idx_v)

        def body(c, _):
            pltpu.async_copy(table_hbm.at[idx_v.at[c]], rows_v, sem).wait()
            pltpu.sync_copy(rows_v, out_hbm.at[pl.ds(base + c * ch, ch)])
            return 0

        jax.lax.fori_loop(0, n_ch, body, 0)

    return k(table, idx3)


def _stream_score_kernel(q_ref, d_ref, out_ref, *, g):
    doc_len, dim = d_ref.shape[1], d_ref.shape[2]
    q = q_ref[0]
    d = d_ref[...].reshape(g * doc_len, dim)
    s = jax.lax.dot_general(d, q, (((1,), (1,)), ((), ())),
                            preferred_element_type=jnp.float32)
    q_len = s.shape[1]
    m = jnp.max(s.reshape(g, doc_len, q_len), axis=1)
    out_ref[0, 0, :, :] = jnp.sum(m, axis=1, keepdims=True)


def _dedup_kernel(p_row_ref, p_col_ref, s_ref, sm_ref, pm_ref, *, k_cand,
                  n_docs):
    p_row = p_row_ref[0]
    p_col = p_col_ref[0]
    kp = p_row.shape[1]
    eq = p_col == p_row
    ii = jax.lax.broadcasted_iota(jnp.int32, (kp, kp), 0)
    jj = jax.lax.broadcasted_iota(jnp.int32, (kp, kp), 1)
    dup = jnp.any(eq & (ii < jj), axis=0, keepdims=True)
    pos = jax.lax.broadcasted_iota(jnp.int32, (1, kp), 1)
    bad = dup | (pos >= k_cand) | (p_row < 0) | (p_row >= n_docs)
    sm_ref[0] = jnp.where(bad, DUP_SENT, s_ref[0])
    pm_ref[0] = jnp.where(bad, -1, p_row)


def _topk_kernel(s_ref, p_ref, ts_ref, tp_ref):
    work = s_ref[...]
    pids = p_ref[...]
    b, kp = work.shape
    kout_pad = ts_ref.shape[1]
    jj = jax.lax.broadcasted_iota(jnp.int32, (b, kp), 1)
    oo = jax.lax.broadcasted_iota(jnp.int32, (b, kout_pad), 1)
    ts0 = jnp.zeros((b, kout_pad), jnp.float32)
    tp0 = jnp.zeros((b, kout_pad), jnp.int32)

    def body(k, carry):
        work, ts_acc, tp_acc = carry
        m = jnp.max(work, axis=1, keepdims=True)
        idx = jnp.argmax(work, axis=1).reshape(b, 1)
        oh = jj == idx
        sel_pid = jnp.sum(jnp.where(oh, pids, 0), axis=1, keepdims=True)
        koh = oo == k
        ts_acc = jnp.where(koh, jnp.where(m <= DUP_SENT, -jnp.inf, m), ts_acc)
        tp_acc = jnp.where(koh, sel_pid, tp_acc)
        return jnp.where(oh, SEL_SENT, work), ts_acc, tp_acc

    _, ts, tp = jax.lax.fori_loop(0, K_OUT, body, (work, ts0, tp0))
    ts_ref[...] = ts
    tp_ref[...] = tp


def kernel(q_vectors, pids, k, vectors, boundaries):
    b, q_len, dim = q_vectors.shape
    k_cand = pids.shape[1]
    n_docs, doc_len, _ = vectors.shape

    kp = ((k_cand + 127) // 128) * 128
    pids_local = pids - boundaries[0]
    pids_pad = jnp.pad(pids_local, ((0, 0), (0, kp - k_cand)))
    gather_pad = jnp.clip(pids_pad, 0, n_docs - 1)

    g = min(G, kp)
    nkg = kp // g
    dense = _sc_gather(vectors.reshape(n_docs, doc_len * dim),
                       gather_pad.reshape(-1))
    dense = dense.reshape(b * kp, doc_len, dim)
    scores = pl.pallas_call(
        functools.partial(_stream_score_kernel, g=g),
        grid=(b, nkg),
        in_specs=[
            pl.BlockSpec((1, q_len, dim), lambda bi, kg: (bi, 0, 0)),
            pl.BlockSpec((g, doc_len, dim), lambda bi, kg: (bi * nkg + kg, 0, 0)),
        ],
        out_specs=pl.BlockSpec((1, 1, g, 1), lambda bi, kg: (bi, kg, 0, 0)),
        out_shape=jax.ShapeDtypeStruct((b, nkg, g, 1), jnp.float32),
    )(q_vectors, dense)
    scores = scores.reshape(b, kp)

    sm, pm = pl.pallas_call(
        functools.partial(_dedup_kernel, k_cand=k_cand, n_docs=n_docs),
        grid=(b,),
        in_specs=[
            pl.BlockSpec((1, 1, kp), lambda bi: (bi, 0, 0)),
            pl.BlockSpec((1, kp, 1), lambda bi: (bi, 0, 0)),
            pl.BlockSpec((1, 1, kp), lambda bi: (bi, 0, 0)),
        ],
        out_specs=[
            pl.BlockSpec((1, 1, kp), lambda bi: (bi, 0, 0)),
            pl.BlockSpec((1, 1, kp), lambda bi: (bi, 0, 0)),
        ],
        out_shape=[
            jax.ShapeDtypeStruct((b, 1, kp), jnp.float32),
            jax.ShapeDtypeStruct((b, 1, kp), jnp.int32),
        ],
    )(pids_pad.reshape(b, 1, kp), pids_pad.reshape(b, kp, 1),
      scores.reshape(b, 1, kp))
    sm = sm.reshape(b, kp)
    pm = pm.reshape(b, kp)

    ts, tp = pl.pallas_call(
        _topk_kernel,
        out_shape=[
            jax.ShapeDtypeStruct((b, 128), jnp.float32),
            jax.ShapeDtypeStruct((b, 128), jnp.int32),
        ],
    )(sm, pm)
    ts = ts[:, :K_OUT]
    tp = tp[:, :K_OUT]

    tp = jnp.where(tp >= 0, tp + boundaries[0], tp)
    return ts, tp

# --- scband reference (transcript-rebuilt; emitter-appended) ---
"""Pipeline reference for scband-max-sim-ranker-62801011802913 (READ-ONLY COPY).

The authoritative reference and input builder live on the scoring server;
editing this copy changes nothing except your own understanding.
"""

import jax, jax.numpy as jnp
import numpy as np

N_DOCS = 50000
DOC_LEN = 32
DIM = 128
B = 16
Q_LEN = 64
K_CAND = 1000
TOP_K = 100


def setup_inputs(seed: int = 0) -> dict:
    key = jax.random.key(seed)
    k1, k2, k3 = jax.random.split(key, 3)
    q_vectors = jax.random.normal(k1, (B, Q_LEN, DIM), dtype=jnp.float32)
    pids = jax.random.randint(k2, (B, K_CAND), 0, N_DOCS, dtype=jnp.int32)
    vectors = jax.random.normal(k3, (N_DOCS, DOC_LEN, DIM), dtype=jnp.float32)
    boundaries = jnp.array([0, N_DOCS], dtype=jnp.int32)
    return {"q_vectors": q_vectors, "pids": pids, "k": TOP_K, "vectors": vectors, "boundaries": boundaries}


def get_unique_pids(pids):
    # Faithful to torch get_unique_pids: deduplicate pids per row, marking
    # repeated occurrences with -1 (keeps static shape; -1 entries score -inf).
    Kc = pids.shape[1]
    eq = pids[:, :, None] == pids[:, None, :]
    lower = jnp.tril(jnp.ones((Kc, Kc), dtype=bool), k=-1)
    dup = jnp.any(eq & lower[None, :, :], axis=-1)
    return jnp.where(dup, -1, pids)


def reference(q_vectors, pids, k, vectors, boundaries):
    n = vectors.shape[0]
    pids = pids - boundaries[0]
    pids = jnp.where((pids < 0) | (pids >= n), -1, pids)
    pids = get_unique_pids(pids)
    # _score: gather doc token vectors and compute MaxSim
    safe_pids = jnp.where(pids < 0, 0, pids)
    d_vectors = jnp.take(vectors, safe_pids, axis=0)  # [B, K, D, H]
    scores = jnp.einsum('bqh,bkdh->bkqd', q_vectors, d_vectors)
    scores = jnp.max(scores, axis=-1)  # max over doc tokens
    scores = jnp.sum(scores, axis=-1)  # sum over query tokens
    scores = jnp.where(pids < 0, -jnp.inf, scores)
    # top-k over candidates
    k_static = TOP_K if TOP_K <= scores.shape[1] else scores.shape[1]
    k = jnp.asarray(k, dtype=jnp.int32)
    top_scores, maxsim_idx = jax.lax.top_k(scores, k_static)
    maxsim_idx = maxsim_idx + (k - k)
    out_pids = jnp.take_along_axis(pids, maxsim_idx, axis=-1)
    out_pids = jnp.where(out_pids >= 0, out_pids + boundaries[0], out_pids)
    return top_scores, out_pids

if __name__ == "__main__":
    import jax
    _d = setup_inputs()
    print(jax.jit(kernel)(*tuple(_d.values())))

</pallas_src>

<mosaic_0001>
#map = affine_map<(d0, d1) -> (0, 0)>
#map1 = affine_map<(d0, d1) -> (0, 0, 0)>
module attributes {stable_mosaic.version = 14 : i64} {
  func.func @k(%arg0: i32, %arg1: i32, %arg2: memref<50000x4096xf32, #tpu.memory_space<hbm>>, %arg3: memref<32x32x16xi32, #tpu.memory_space<hbm>>, %arg4: memref<16384x4096xf32, #tpu.memory_space<hbm>>, %arg5: memref<32x16xi32, #tpu.memory_space<vmem>>, %arg6: memref<16x4096xf32, #tpu.memory_space<vmem>>, %arg7: memref<!tpu.dma_semaphore, #tpu.memory_space<semaphore_mem>>) attributes {dimension_semantics = [#tpu.dimension_semantics<core_parallel>, #tpu.dimension_semantics<subcore_parallel>], iteration_bounds = array<i64: 2, 16>, scalar_prefetch = 0 : i64, scratch_operands = 3 : i64, tpu.core_type = #tpu.core_type<sc_vector_subcore>, window_params = [{transform_indices = #map}, {transform_indices = #map1}, {transform_indices = #map}]} {
    %mul3A = arith.constant 2 : i32
    %mul3A_0 = arith.muli %arg1, %mul3A : i32
    %add3A = arith.addi %mul3A_0, %arg0 : i32
    %mul3A_1 = arith.constant 512 : i32
    %mul3A_2 = arith.muli %add3A, %mul3A_1 : i32
    "tpu.region"() ({
      %run_scoped3A = tpu.sem_alloc : memref<!tpu.dma_semaphore, #tpu.memory_space<semaphore_mem>>
      %dma_start3A = arith.constant 0 : i32
      %dma_start3A_9 = arith.constant 0 : i32
      %dma_start3A_10 = tpu.memref_slice %arg3[%add3A, %dma_start3A, %dma_start3A_9] : memref<32x32x16xi32, #tpu.memory_space<hbm>> -> memref<1x32x16xi32, #tpu.memory_space<hbm>>
      %dma_start3A_11 = tpu.memref_squeeze %dma_start3A_10 : memref<1x32x16xi32, #tpu.memory_space<hbm>> -> memref<32x16xi32, #tpu.memory_space<hbm>>
      %dma_start3A_12 = arith.constant 0 : i32
      %dma_start3A_13 = arith.constant 0 : i32
      %dma_start3A_14 = tpu.memref_slice %arg3[%add3A, %dma_start3A_12, %dma_start3A_13] : memref<32x32x16xi32, #tpu.memory_space<hbm>> -> memref<1x32x16xi32, #tpu.memory_space<hbm>>
      %dma_start3A_15 = tpu.memref_squeeze %dma_start3A_14 : memref<1x32x16xi32, #tpu.memory_space<hbm>> -> memref<32x16xi32, #tpu.memory_space<hbm>>
      tpu.enqueue_dma source(%dma_start3A_15 : memref<32x16xi32, #tpu.memory_space<hbm>>) target(%arg5 : memref<32x16xi32, #tpu.memory_space<vmem>>) target_semaphore(%run_scoped3A : memref<!tpu.dma_semaphore, #tpu.memory_space<semaphore_mem>>)
      %dma_wait3A = arith.constant 0 : i32
      %dma_wait3A_16 = arith.constant 0 : i32
      %dma_wait3A_17 = tpu.memref_slice %arg3[%add3A, %dma_wait3A, %dma_wait3A_16] : memref<32x32x16xi32, #tpu.memory_space<hbm>> -> memref<1x32x16xi32, #tpu.memory_space<hbm>>
      %dma_wait3A_18 = tpu.memref_squeeze %dma_wait3A_17 : memref<1x32x16xi32, #tpu.memory_space<hbm>> -> memref<32x16xi32, #tpu.memory_space<hbm>>
      %dma_wait3A_19 = arith.constant 0 : i32
      %dma_wait3A_20 = arith.constant 0 : i32
      %dma_wait3A_21 = tpu.memref_slice %arg3[%add3A, %dma_wait3A_19, %dma_wait3A_20] : memref<32x32x16xi32, #tpu.memory_space<hbm>> -> memref<1x32x16xi32, #tpu.memory_space<hbm>>
      %dma_wait3A_22 = tpu.memref_squeeze %dma_wait3A_21 : memref<1x32x16xi32, #tpu.memory_space<hbm>> -> memref<32x16xi32, #tpu.memory_space<hbm>>
      tpu.wait_dma2 semaphore(%run_scoped3A : memref<!tpu.dma_semaphore, #tpu.memory_space<semaphore_mem>>) src(%dma_wait3A_22 : memref<32x16xi32, #tpu.memory_space<hbm>>) dst(%arg5 : memref<32x16xi32, #tpu.memory_space<vmem>>)
      tpu.yield
    }) : () -> ()
    %scan3A = arith.constant 0 : i32
    %scan3A_3 = arith.constant 0 : i32
    %scan3A_4 = arith.constant 32 : i32
    %scan3A_5 = arith.addi %scan3A_3, %scan3A_4 : i32
    %scan3A_6 = arith.constant 1 : i32
    %scan3A_7 = scf.for %scan3A_9 = %scan3A_3 to %scan3A_5 step %scan3A_6 iter_args(%scan3A_10 = %scan3A) -> (i32)  : i32 {
      %dma_start3A = arith.constant 0 : i32
      %dma_start3A_11 = tpu.memref_slice %arg5[%scan3A_9, %dma_start3A] : memref<32x16xi32, #tpu.memory_space<vmem>> -> memref<1x16xi32, #tpu.memory_space<vmem>>
      %dma_start3A_12 = tpu.memref_squeeze %dma_start3A_11 : memref<1x16xi32, #tpu.memory_space<vmem>> -> memref<16xi32, #tpu.memory_space<vmem>>
      %dma_start3A_13 = arith.constant 0 : i32
      %dma_start3A_14 = arith.constant 0 : i32
      %dma_start3A_15 = tpu.memref_slice %arg2[%dma_start3A_13, %dma_start3A_14] : memref<50000x4096xf32, #tpu.memory_space<hbm>> -> memref<50000x4096xf32, #tpu.memory_space<hbm>>
      tpu.enqueue_indirect_dma source(%dma_start3A_15 : memref<50000x4096xf32, #tpu.memory_space<hbm>>) target(%arg6 : memref<16x4096xf32, #tpu.memory_space<vmem>>) offsets(%dma_start3A_12 : memref<16xi32, #tpu.memory_space<vmem>>) semaphore(%arg7 : memref<!tpu.dma_semaphore, #tpu.memory_space<semaphore_mem>>)
      %dma_wait3A = arith.constant 0 : i32
      %dma_wait3A_16 = tpu.memref_slice %arg5[%scan3A_9, %dma_wait3A] : memref<32x16xi32, #tpu.memory_space<vmem>> -> memref<1x16xi32, #tpu.memory_space<vmem>>
      %dma_wait3A_17 = tpu.memref_squeeze %dma_wait3A_16 : memref<1x16xi32, #tpu.memory_space<vmem>> -> memref<16xi32, #tpu.memory_space<vmem>>
      %dma_wait3A_18 = arith.constant 0 : i32
      %dma_wait3A_19 = arith.constant 0 : i32
      %dma_wait3A_20 = tpu.memref_slice %arg2[%dma_wait3A_18, %dma_wait3A_19] : memref<50000x4096xf32, #tpu.memory_space<hbm>> -> memref<50000x4096xf32, #tpu.memory_space<hbm>>
      tpu.wait_indirect_dma semaphore(%arg7 : memref<!tpu.dma_semaphore, #tpu.memory_space<semaphore_mem>>) src(%dma_wait3A_20 : memref<50000x4096xf32, #tpu.memory_space<hbm>>) dst(%arg6 : memref<16x4096xf32, #tpu.memory_space<vmem>>)
      %mul3A_21 = arith.constant 16 : i32
      %mul3A_22 = arith.muli %scan3A_9, %mul3A_21 : i32
      %add3A_23 = arith.addi %mul3A_2, %mul3A_22 : i32
      "tpu.region"() ({
        %run_scoped3A = tpu.sem_alloc : memref<!tpu.dma_semaphore, #tpu.memory_space<semaphore_mem>>
        %dma_start3A_25 = arith.constant 0 : i32
        %dma_start3A_26 = tpu.memref_slice %arg4[%add3A_23, %dma_start3A_25] : memref<16384x4096xf32, #tpu.memory_space<hbm>> -> memref<16x4096xf32, #tpu.memory_space<hbm>>
        %dma_start3A_27 = arith.constant 0 : i32
        %dma_start3A_28 = tpu.memref_slice %arg4[%add3A_23, %dma_start3A_27] : memref<16384x4096xf32, #tpu.memory_space<hbm>> -> memref<16x4096xf32, #tpu.memory_space<hbm>>
        tpu.enqueue_dma source(%arg6 : memref<16x4096xf32, #tpu.memory_space<vmem>>) target(%dma_start3A_28 : memref<16x4096xf32, #tpu.memory_space<hbm>>) target_semaphore(%run_scoped3A : memref<!tpu.dma_semaphore, #tpu.memory_space<semaphore_mem>>)
        %dma_wait3A_29 = arith.constant 0 : i32
        %dma_wait3A_30 = tpu.memref_slice %arg4[%add3A_23, %dma_wait3A_29] : memref<16384x4096xf32, #tpu.memory_space<hbm>> -> memref<16x4096xf32, #tpu.memory_space<hbm>>
        %dma_wait3A_31 = arith.constant 0 : i32
        %dma_wait3A_32 = tpu.memref_slice %arg4[%add3A_23, %dma_wait3A_31] : memref<16384x4096xf32, #tpu.memory_space<hbm>> -> memref<16x4096xf32, #tpu.memory_space<hbm>>
        tpu.wait_dma2 semaphore(%run_scoped3A : memref<!tpu.dma_semaphore, #tpu.memory_space<semaphore_mem>>) src(%arg6 : memref<16x4096xf32, #tpu.memory_space<vmem>>) dst(%dma_wait3A_32 : memref<16x4096xf32, #tpu.memory_space<hbm>>)
        tpu.yield
      }) : () -> ()
      %scan3A_24 = arith.constant 0 : i32
      scf.yield %scan3A_24 : i32
    }
    %scan3A_8 = arith.constant 32 : i32
    return
  }
}

module attributes {stable_mosaic.version = 14 : i64} {
  func.func @_stream_score_kernel(%arg0: i32, %arg1: i32, %arg2: memref<1x64x128xf32, #tpu.memory_space<vmem>>, %arg3: memref<512x32x128xf32, #tpu.memory_space<vmem>>, %arg4: memref<1x1x512x1xf32, #tpu.memory_space<vmem>>) attributes {dimension_semantics = [#tpu.dimension_semantics<arbitrary>, #tpu.dimension_semantics<arbitrary>], iteration_bounds = array<i64: 16, 2>, scalar_prefetch = 0 : i64, scratch_operands = 0 : i64, tpu.core_type = #tpu.core_type<tc>, window_params = [{transform_indices = @transform_0, window_bounds = array<i64: 1, 64, 128>}, {transform_indices = @transform_1, window_bounds = array<i64: 512, 32, 128>}, {transform_indices = @transform_2, window_bounds = array<i64: 1, 1, 512, 1>}]} {
    %get3A = arith.constant 0 : index
    %get3A_0 = arith.constant 0 : index
    %get3A_1 = arith.constant 0 : index
    %get3A_2 = vector.load %arg2[%get3A, %get3A_0, %get3A_1] : memref<1x64x128xf32, #tpu.memory_space<vmem>>, vector<1x64x128xf32>
    %get3A_3 = vector.shape_cast %get3A_2 : vector<1x64x128xf32> to vector<64x128xf32>
    %get3A_4 = arith.constant 0 : index
    %get3A_5 = arith.constant 0 : index
    %get3A_6 = arith.constant 0 : index
    %get3A_7 = vector.load %arg3[%get3A_4, %get3A_5, %get3A_6] : memref<512x32x128xf32, #tpu.memory_space<vmem>>, vector<512x32x128xf32>
    %reshape3A = vector.shape_cast %get3A_7 : vector<512x32x128xf32> to vector<16384x128xf32>
    %dot_general3A = arith.constant dense<0.000000e+00> : vector<16384x64xf32>
    %dot_general3A_8 = tpu.matmul %reshape3A, %get3A_3, %dot_general3A {dimension_numbers = #tpu.dot_dimension_numbers<[1], [1], [0], [0], [0, 0, 1, 0], [], []>, transpose_lhs_hint = false} : vector<16384x128xf32>, vector<64x128xf32>, vector<16384x64xf32> -> vector<16384x64xf32>
    %reshape3A_9 = vector.shape_cast %dot_general3A_8 : vector<16384x64xf32> to vector<512x32x64xf32>
    %reduce_max3A = arith.constant dense<0xFF800000> : vector<512x64xf32>
    %reduce_max3A_10 = vector.multi_reduction <maximumf>, %reshape3A_9, %reduce_max3A [1] : vector<512x32x64xf32> to vector<512x64xf32>
    %reduce_sum3A = arith.constant dense<0.000000e+00> : vector<512xf32>
    %reduce_sum3A_11 = vector.multi_reduction <add>, %reduce_max3A_10, %reduce_sum3A [1] : vector<512x64xf32> to vector<512xf32>
    %broadcast_in_dim3A = vector.shape_cast %reduce_sum3A_11 : vector<512xf32> to vector<512x1xf32>
    %swap3A = arith.constant 0 : index
    %swap3A_12 = arith.constant 0 : index
    %swap3A_13 = arith.constant 0 : index
    %swap3A_14 = arith.constant 0 : index
    %swap3A_15 = vector.load %arg4[%swap3A, %swap3A_12, %swap3A_13, %swap3A_14] : memref<1x1x512x1xf32, #tpu.memory_space<vmem>>, vector<1x1x512x1xf32>
    %swap3A_16 = vector.shape_cast %swap3A_15 : vector<1x1x512x1xf32> to vector<512x1xf32>
    %swap3A_17 = vector.shape_cast %broadcast_in_dim3A : vector<512x1xf32> to vector<1x1x512x1xf32>
    tpu.vector_store %arg4[%swap3A, %swap3A_12, %swap3A_13, %swap3A_14], %swap3A_17 {strides = array<i32>} : memref<1x1x512x1xf32, #tpu.memory_space<vmem>>, vector<1x1x512x1xf32>,
    return
  }
  func.func @transform_0(%arg0: i32, %arg1: i32) -> (i32, i32, i32) {
    %c0_i32 = arith.constant 0 : i32
    %c0_i32_0 = arith.constant 0 : i32
    %c0_i32_1 = arith.constant 0 : i32
    return %arg0, %c0_i32, %c0_i32_0 : i32, i32, i32
  }
  func.func @transform_1(%arg0: i32, %arg1: i32) -> (i32, i32, i32) {
    %mul3A = arith.constant 2 : i32
    %mul3A_0 = arith.muli %arg0, %mul3A : i32
    %add3A = arith.addi %mul3A_0, %arg1 : i32
    %c0_i32 = arith.constant 0 : i32
    %c0_i32_1 = arith.constant 0 : i32
    %c0_i32_2 = arith.constant 0 : i32
    return %add3A, %c0_i32, %c0_i32_1 : i32, i32, i32
  }
  func.func @transform_2(%arg0: i32, %arg1: i32) -> (i32, i32, i32, i32) {
    %c0_i32 = arith.constant 0 : i32
    %c0_i32_0 = arith.constant 0 : i32
    %c0_i32_1 = arith.constant 0 : i32
    return %arg0, %arg1, %c0_i32, %c0_i32_0 : i32, i32, i32, i32
  }
}

module attributes {stable_mosaic.version = 14 : i64} {
  func.func @_topk_kernel(%arg0: memref<16x1024xf32, #tpu.memory_space<vmem>>, %arg1: memref<16x1024xi32, #tpu.memory_space<vmem>>, %arg2: memref<16x128xf32, #tpu.memory_space<vmem>>, %arg3: memref<16x128xi32, #tpu.memory_space<vmem>>) attributes {dimension_semantics = [], scalar_prefetch = 0 : i64, scratch_operands = 0 : i64, tpu.core_type = #tpu.core_type<tc>} {
    %get3A = arith.constant 0 : index
    %get3A_0 = arith.constant 0 : index
    %get3A_1 = vector.load %arg0[%get3A, %get3A_0] : memref<16x1024xf32, #tpu.memory_space<vmem>>, vector<16x1024xf32>
    %get3A_2 = arith.constant 0 : index
    %get3A_3 = arith.constant 0 : index
    %get3A_4 = vector.load %arg1[%get3A_2, %get3A_3] : memref<16x1024xi32, #tpu.memory_space<vmem>>, vector<16x1024xi32>
    %iota3A = tpu.iota {dimensions = array<i32: 1>} : vector<16x1024xi32>
    %iota3A_5 = tpu.iota {dimensions = array<i32: 1>} : vector<16x128xi32>
    %broadcast_in_dim3A = arith.constant 0.000000e+00 : f32
    %broadcast_in_dim3A_6 = vector.broadcast %broadcast_in_dim3A : f32 to vector<16x128xf32>
    %broadcast_in_dim3A_7 = arith.constant 0 : i32
    %broadcast_in_dim3A_8 = vector.broadcast %broadcast_in_dim3A_7 : i32 to vector<16x128xi32>
    %scan3A = arith.constant 0 : i32
    %scan3A_9 = arith.constant 100 : i32
    %scan3A_10 = arith.addi %scan3A, %scan3A_9 : i32
    %scan3A_11 = arith.constant 1 : i32
    %scan3A_12:3 = scf.for %scan3A_19 = %scan3A to %scan3A_10 step %scan3A_11 iter_args(%scan3A_20 = %get3A_1, %scan3A_21 = %broadcast_in_dim3A_6, %scan3A_22 = %broadcast_in_dim3A_8) -> (vector<16x1024xf32>, vector<16x128xf32>, vector<16x128xi32>)  : i32 {
      %reduce_max3A = arith.constant dense<0xFF800000> : vector<16xf32>
      %reduce_max3A_23 = vector.multi_reduction <maximumf>, %scan3A_20, %reduce_max3A [1] : vector<16x1024xf32> to vector<16xf32>
      %broadcast_in_dim3A_24 = vector.shape_cast %reduce_max3A_23 : vector<16xf32> to vector<16x1xf32>
      %argmax3A = tpu.reduce_index %scan3A_20 {axis = 1 : i32, kind = #tpu.reduction_kind<arg_max>} : vector<16x1024xf32> -> vector<16xi32>
      %reshape3A = vector.shape_cast %argmax3A : vector<16xi32> to vector<16x1xi32>
      %eq3A = vector.broadcast %reshape3A : vector<16x1xi32> to vector<16x1024xi32>
      %eq3A_25 = arith.cmpi eq, %iota3A, %eq3A : vector<16x1024xi32>
      %jit3A = arith.constant 0 : i32
      %broadcast_in_dim3A_26 = vector.broadcast %jit3A : i32 to vector<16x1024xi32>
      %select_n3A = arith.select %eq3A_25, %get3A_4, %broadcast_in_dim3A_26 : vector<16x1024xi1>, vector<16x1024xi32>
      %reduce_sum3A = arith.constant dense<0> : vector<16xi32>
      %reduce_sum3A_27 = vector.multi_reduction <add>, %select_n3A, %reduce_sum3A [1] : vector<16x1024xi32> to vector<16xi32>
      %broadcast_in_dim3A_28 = vector.shape_cast %reduce_sum3A_27 : vector<16xi32> to vector<16x1xi32>
      %eq3A_29 = vector.broadcast %scan3A_19 : i32 to vector<16x128xi32>
      %eq3A_30 = arith.cmpi eq, %iota3A_5, %eq3A_29 : vector<16x128xi32>
      %le3A = arith.constant -9.99999993E+36 : f32
      %le3A_31 = vector.broadcast %le3A : f32 to vector<16x1xf32>
      %le3A_32 = arith.cmpf ole, %broadcast_in_dim3A_24, %le3A_31 : vector<16x1xf32>
      %jit3A_33 = arith.constant 0xFF800000 : f32
      %broadcast_in_dim3A_34 = vector.broadcast %jit3A_33 : f32 to vector<16x1xf32>
      %select_n3A_35 = arith.select %le3A_32, %broadcast_in_dim3A_34, %broadcast_in_dim3A_24 : vector<16x1xi1>, vector<16x1xf32>
      %broadcast_in_dim3A_36 = vector.shape_cast %select_n3A_35 : vector<16x1xf32> to vector<16x1xf32>
      %broadcast_in_dim3A_37 = vector.broadcast %broadcast_in_dim3A_36 : vector<16x1xf32> to vector<16x128xf32>
      %select_n3A_38 = arith.select %eq3A_30, %broadcast_in_dim3A_37, %scan3A_21 : vector<16x128xi1>, vector<16x128xf32>
      %broadcast_in_dim3A_39 = vector.shape_cast %broadcast_in_dim3A_28 : vector<16x1xi32> to vector<16x1xi32>
      %broadcast_in_dim3A_40 = vector.broadcast %broadcast_in_dim3A_39 : vector<16x1xi32> to vector<16x128xi32>
      %select_n3A_41 = arith.select %eq3A_30, %broadcast_in_dim3A_40, %scan3A_22 : vector<16x128xi1>, vector<16x128xi32>
      %jit3A_42 = arith.constant -2.000000e+37 : f32
      %broadcast_in_dim3A_43 = vector.broadcast %jit3A_42 : f32 to vector<16x1024xf32>
      %select_n3A_44 = arith.select %eq3A_25, %broadcast_in_dim3A_43, %scan3A_20 : vector<16x1024xi1>, vector<16x1024xf32>
      scf.yield %select_n3A_44, %select_n3A_38, %select_n3A_41 : vector<16x1024xf32>, vector<16x128xf32>, vector<16x128xi32>
    }
    %scan3A_13 = arith.constant 100 : i32
    %swap3A = arith.constant 0 : index
    %swap3A_14 = arith.constant 0 : index
    %swap3A_15 = vector.load %arg2[%swap3A, %swap3A_14] : memref<16x128xf32, #tpu.memory_space<vmem>>, vector<16x128xf32>
    tpu.vector_store %arg2[%swap3A, %swap3A_14], %scan3A_12#1 {strides = array<i32>} : memref<16x128xf32, #tpu.memory_space<vmem>>, vector<16x128xf32>,
    %swap3A_16 = arith.constant 0 : index
    %swap3A_17 = arith.constant 0 : index
    %swap3A_18 = vector.load %arg3[%swap3A_16, %swap3A_17] : memref<16x128xi32, #tpu.memory_space<vmem>>, vector<16x128xi32>
    tpu.vector_store %arg3[%swap3A_16, %swap3A_17], %scan3A_12#2 {strides = array<i32>} : memref<16x128xi32, #tpu.memory_space<vmem>>, vector<16x128xi32>,
    return
  }
}

module attributes {stable_mosaic.version = 14 : i64} {
  func.func @_dedup_kernel(%arg0: i32, %arg1: memref<1x1x1024xi32, #tpu.memory_space<vmem>>, %arg2: memref<1x1024x1xi32, #tpu.memory_space<vmem>>, %arg3: memref<1x1x1024xf32, #tpu.memory_space<vmem>>, %arg4: memref<1x1x1024xf32, #tpu.memory_space<vmem>>, %arg5: memref<1x1x1024xi32, #tpu.memory_space<vmem>>) attributes {dimension_semantics = [#tpu.dimension_semantics<arbitrary>], iteration_bounds = array<i64: 16>, scalar_prefetch = 0 : i64, scratch_operands = 0 : i64, tpu.core_type = #tpu.core_type<tc>, window_params = [{transform_indices = @transform_0, window_bounds = array<i64: 1, 1, 1024>}, {transform_indices = @transform_1, window_bounds = array<i64: 1, 1024, 1>}, {transform_indices = @transform_2, window_bounds = array<i64: 1, 1, 1024>}, {transform_indices = @transform_3, window_bounds = array<i64: 1, 1, 1024>}, {transform_indices = @transform_4, window_bounds = array<i64: 1, 1, 1024>}]} {
    %get3A = arith.constant 0 : index
    %get3A_0 = arith.constant 0 : index
    %get3A_1 = arith.constant 0 : index
    %get3A_2 = vector.load %arg1[%get3A, %get3A_0, %get3A_1] : memref<1x1x1024xi32, #tpu.memory_space<vmem>>, vector<1x1x1024xi32>
    %get3A_3 = vector.shape_cast %get3A_2 : vector<1x1x1024xi32> to vector<1x1024xi32>
    %get3A_4 = arith.constant 0 : index
    %get3A_5 = arith.constant 0 : index
    %get3A_6 = arith.constant 0 : index
    %get3A_7 = vector.load %arg2[%get3A_4, %get3A_5, %get3A_6] : memref<1x1024x1xi32, #tpu.memory_space<vmem>>, vector<1x1024x1xi32>
    %get3A_8 = vector.shape_cast %get3A_7 : vector<1x1024x1xi32> to vector<1024x1xi32>
    %eq3A = vector.broadcast %get3A_8 : vector<1024x1xi32> to vector<1024x1024xi32>
    %eq3A_9 = vector.broadcast %get3A_3 : vector<1x1024xi32> to vector<1024x1024xi32>
    %eq3A_10 = arith.cmpi eq, %eq3A, %eq3A_9 : vector<1024x1024xi32>
    %iota3A = tpu.iota {dimensions = array<i32: 0>} : vector<1024x1024xi32>
    %iota3A_11 = tpu.iota {dimensions = array<i32: 1>} : vector<1024x1024xi32>
    %lt3A = arith.cmpi slt, %iota3A, %iota3A_11 : vector<1024x1024xi32>
    %and3A = arith.andi %eq3A_10, %lt3A : vector<1024x1024xi1>
    %reduce_or3A = arith.constant 1.000000e+00 : f32
    %reduce_or3A_12 = arith.constant 0.000000e+00 : f32
    %reduce_or3A_13 = vector.broadcast %reduce_or3A : f32 to vector<1024x1024xf32>
    %reduce_or3A_14 = vector.broadcast %reduce_or3A_12 : f32 to vector<1024x1024xf32>
    %reduce_or3A_15 = arith.select %and3A, %reduce_or3A_13, %reduce_or3A_14 : vector<1024x1024xi1>, vector<1024x1024xf32>
    %reduce_or3A_16 = arith.constant dense<0xFF800000> : vector<1024xf32>
    %reduce_or3A_17 = vector.multi_reduction <maximumf>, %reduce_or3A_15, %reduce_or3A_16 [0] : vector<1024x1024xf32> to vector<1024xf32>
    %reduce_or3A_18 = arith.constant 0.000000e+00 : f32
    %reduce_or3A_19 = vector.broadcast %reduce_or3A_18 : f32 to vector<1024xf32>
    %reduce_or3A_20 = arith.cmpf ogt, %reduce_or3A_17, %reduce_or3A_19 : vector<1024xf32>
    %broadcast_in_dim3A = vector.shape_cast %reduce_or3A_20 : vector<1024xi1> to vector<1x1024xi1>
    %iota3A_21 = tpu.iota {dimensions = array<i32: 1>} : vector<1x1024xi32>
    %ge3A = arith.constant 1000 : i32
    %ge3A_22 = vector.broadcast %ge3A : i32 to vector<1x1024xi32>
    %ge3A_23 = arith.cmpi sge, %iota3A_21, %ge3A_22 : vector<1x1024xi32>
    %or3A = arith.ori %broadcast_in_dim3A, %ge3A_23 : vector<1x1024xi1>
    %lt3A_24 = arith.constant 0 : i32
    %lt3A_25 = vector.broadcast %lt3A_24 : i32 to vector<1x1024xi32>
    %lt3A_26 = arith.cmpi slt, %get3A_3, %lt3A_25 : vector<1x1024xi32>
    %or3A_27 = arith.ori %or3A, %lt3A_26 : vector<1x1024xi1>
    %ge3A_28 = arith.constant 50000 : i32
    %ge3A_29 = vector.broadcast %ge3A_28 : i32 to vector<1x1024xi32>
    %ge3A_30 = arith.cmpi sge, %get3A_3, %ge3A_29 : vector<1x1024xi32>
    %or3A_31 = arith.ori %or3A_27, %ge3A_30 : vector<1x1024xi1>
    %get3A_32 = arith.constant 0 : index
    %get3A_33 = arith.constant 0 : index
    %get3A_34 = arith.constant 0 : index
    %get3A_35 = vector.load %arg3[%get3A_32, %get3A_33, %get3A_34] : memref<1x1x1024xf32, #tpu.memory_space<vmem>>, vector<1x1x1024xf32>
    %get3A_36 = vector.shape_cast %get3A_35 : vector<1x1x1024xf32> to vector<1x1024xf32>
    %jit3A = arith.constant -9.99999993E+36 : f32
    %broadcast_in_dim3A_37 = vector.broadcast %jit3A : f32 to vector<1x1024xf32>
    %select_n3A = arith.select %or3A_31, %broadcast_in_dim3A_37, %get3A_36 : vector<1x1024xi1>, vector<1x1024xf32>
    %swap3A = arith.constant 0 : index
    %swap3A_38 = arith.constant 0 : index
    %swap3A_39 = arith.constant 0 : index
    %swap3A_40 = vector.load %arg4[%swap3A, %swap3A_38, %swap3A_39] : memref<1x1x1024xf32, #tpu.memory_space<vmem>>, vector<1x1x1024xf32>
    %swap3A_41 = vector.shape_cast %swap3A_40 : vector<1x1x1024xf32> to vector<1x1024xf32>
    %swap3A_42 = vector.shape_cast %select_n3A : vector<1x1024xf32> to vector<1x1x1024xf32>
    tpu.vector_store %arg4[%swap3A, %swap3A_38, %swap3A_39], %swap3A_42 {strides = array<i32>} : memref<1x1x1024xf32, #tpu.memory_space<vmem>>, vector<1x1x1024xf32>,
    %jit3A_43 = arith.constant -1 : i32
    %broadcast_in_dim3A_44 = vector.broadcast %jit3A_43 : i32 to vector<1x1024xi32>
    %select_n3A_45 = arith.select %or3A_31, %broadcast_in_dim3A_44, %get3A_3 : vector<1x1024xi1>, vector<1x1024xi32>
    %swap3A_46 = arith.constant 0 : index
    %swap3A_47 = arith.constant 0 : index
    %swap3A_48 = arith.constant 0 : index
    %swap3A_49 = vector.load %arg5[%swap3A_46, %swap3A_47, %swap3A_48] : memref<1x1x1024xi32, #tpu.memory_space<vmem>>, vector<1x1x1024xi32>
    %swap3A_50 = vector.shape_cast %swap3A_49 : vector<1x1x1024xi32> to vector<1x1024xi32>
    %swap3A_51 = vector.shape_cast %select_n3A_45 : vector<1x1024xi32> to vector<1x1x1024xi32>
    tpu.vector_store %arg5[%swap3A_46, %swap3A_47, %swap3A_48], %swap3A_51 {strides = array<i32>} : memref<1x1x1024xi32, #tpu.memory_space<vmem>>, vector<1x1x1024xi32>,
    return
  }
  func.func @transform_0(%arg0: i32) -> (i32, i32, i32) {
    %c0_i32 = arith.constant 0 : i32
    %c0_i32_0 = arith.constant 0 : i32
    %c0_i32_1 = arith.constant 0 : i32
    return %arg0, %c0_i32, %c0_i32_0 : i32, i32, i32
  }
  func.func @transform_1(%arg0: i32) -> (i32, i32, i32) {
    %c0_i32 = arith.constant 0 : i32
    %c0_i32_0 = arith.constant 0 : i32
    %c0_i32_1 = arith.constant 0 : i32
    return %arg0, %c0_i32, %c0_i32_0 : i32, i32, i32
  }
  func.func @transform_2(%arg0: i32) -> (i32, i32, i32) {
    %c0_i32 = arith.constant 0 : i32
    %c0_i32_0 = arith.constant 0 : i32
    %c0_i32_1 = arith.constant 0 : i32
    return %arg0, %c0_i32, %c0_i32_0 : i32, i32, i32
  }
  func.func @transform_3(%arg0: i32) -> (i32, i32, i32) {
    %c0_i32 = arith.constant 0 : i32
    %c0_i32_0 = arith.constant 0 : i32
    %c0_i32_1 = arith.constant 0 : i32
    return %arg0, %c0_i32, %c0_i32_0 : i32, i32, i32
  }
  func.func @transform_4(%arg0: i32) -> (i32, i32, i32) {
    %c0_i32 = arith.constant 0 : i32
    %c0_i32_0 = arith.constant 0 : i32
    %c0_i32_1 = arith.constant 0 : i32
    return %arg0, %c0_i32, %c0_i32_0 : i32, i32, i32
  }
}

</mosaic_0001>

<sc_bundles>
// kernel: kernel.6.cloned.1.call-start
scs
__scs_entry_jumppad:
0x0: {  	(pc) =	sbr.rel $0x88, $3  }
0x1: {  	(tag) =	ssettag $0x0;
	lr =	simm.s32 $0x1  }
0x2: {  	[smem:$0x3F9D] =	sst lr;
	_ =	strace $0xD0000000  }
0x3: {  	_ = 	snop  }
0x4: {  	_ = 	snop  }
0x5: {  	_ = 	snop  }
0x6: {  	_ = 	snop  }
0x7: {  	_ = 	snop  }
__scs_overlays_trampoline_lowered:
0x8: {  	[smem:$0x3FAC] =	sst s0  }
0x9: {  	[smem:$0x3FAD] =	sst s1  }
0xa: {  	[smem:$0x3FAE] =	sst s2  }
0xb: {  	[smem:$0x3FAF] =	sst s3  }
0xc: {  	[smem:$0x3FB0] =	sst s4  }
0xd: {  	[smem:$0x3FB1] =	sst s5  }
0xe: {  	[smem:$0x3FB2] =	sst s6  }
0xf: {  	[smem:$0x3FB3] =	sst s7  }
0x10: {  	[smem:$0x3FB4] =	sst s8  }
0x11: {  	[smem:$0x3FB5] =	sst s9;
	s0 =	simm.s32 @!p0 $0x0  }
0x12: {  	s1 =	sld [smem:$0x3F9B];
	s0 =	simm.s32 @p0 $0x1  }
0x13: {  	[smem:$0x3FB6] =	sst s0;
	s0 =	simm.s32 @!p1 $0x0  }
0x14: {  	s2 =	sld [smem:$0x3F9A];
	s0 =	simm.s32 @p1 $0x1  }
0x15: {  	[smem:$0x3FB7] =	sst s0;
	s0 =	simm.s32 @!p2 $0x0  }
0x16: {  	s3 =	sld [smem:$0x3FDB];
	s0 =	simm.s32 @p2 $0x1  }
0x17: {  	s4 =	simm.s32 $0x1BF5;
	[smem:$0x3FB9] =	sst s0  }
0x18: {  	s0 =	sld [smem:$0x3F9C];
	_ =	swait.ge [sflag:s4], $0x0  }
0x19: {  	s7 =	sld [smem:$0x3F9D]  }
0x1a: {  	s8 =	sadd.s32 $0xFFFFE003, lr  }
0x1b: {  	s9 =	sadd.s32 $0xFFFFFEF7, lr;
	s5 =	simm.s32 $0xFFFFFFFF;
	p2 =	slt.u32 s8, $0xFFFFF086  }
0x1c: {  	p1 =	slt.u32 s9, $0xF7A;
	s5 =	simm.s32 @!p2 $0x0  }
0x1d: {  	s5 =	simm.s32 @p1 $0x1;
	p0 =	seq.s32 s7, s2  }
0x1e: {  	s7 =	smul.u32 @!p0 $0xF7A, s2;
	p2 =	seq.s32 @!p0 s5, $0x0  }
0x1f: {  	s9 =	smul.u32 $0xF7A, s1;
	s8 =	simm.s32 @!p0 $0x1BF5;
	p2 =	por !p2, p0  }
0x20: {  	[sflag:s8] =	ssyncset.s32 @!p0 $0xFFFFF086;
	s6 =	sadd.s32 @!p0 s3, s7;
	s7 =	simm.s32 @!p0 $0x108  }
0x21: {  	s3 =	sadd.s32 s3, s9;
	s6 =	sadd.s32 @!p0 $0x88, s6;
	s7 =	simm.s32 @p2 $0x1082  }
0x22: {  	[simem:s7], [sflag:s8] =	dma.local @!p0 [hbm:s6], $0xF7A  }
0x23: {  	s9 =	sor.u32 $0xD0000000, s2;
	s6 =	simm.s32 $0x108;
	_ =	swait.ge @!p0 [sflag:s8], $0x0  }
0x24: {  	s3 =	sadd.s32 $0x88, s3;
	s6 =	simm.s32 @!p1 $0x1082;
	[sflag:s4] =	ssyncset.s32 $0xFFFFF086  }
0x25: {  	[simem:s6], [sflag:s4] =	dma.local [hbm:s3], $0xF7A  }
0x26: {  	[smem:$0x3F9D] =	sst s1;
	(tag) =	ssettag s2;
	_ =	strace s9  }
0x27: {  	s1 =	sld [smem:$0x3FAD]  }
0x28: {  	s2 =	sld [smem:$0x3FAE]  }
0x29: {  	s4 =	sld [smem:$0x3FB0]  }
0x2a: {  	p0 =	seq.s32 s5, $0x0;
	s5 =	sld [smem:$0x3FB1]  }
0x2b: {  	s6 =	sld [smem:$0x3FB2]  }
0x2c: {  	s7 =	sld [smem:$0x3FB3]  }
0x2d: {  	s3 =	simm.s32 $0x108;
	s8 =	sld [smem:$0x3FB4]  }
0x2e: {  	s3 =	simm.s32 @!p0 $0x1082;
	s9 =	sld [smem:$0x3FB5]  }
0x2f: {  	lr =	sadd.s32 s0, s3;
	s0 =	sld [smem:$0x3FAC]  }
0x30: {  	s3 =	sld [smem:$0x3FAF]  }
0x31: {  	[smem:$0x3FB8] =	sst s10  }
0x32: {  	s10 =	sld [smem:$0x3FB6];
	_ =	sdelay $0x3  }
0x33: {  	p0 =	seq.s32 s10, $0x1;
	s10 =	sld [smem:$0x3FB8];
	_ =	sdelay $0x3  }
0x34: {  	[smem:$0x3FB8] =	sst s10  }
0x35: {  	s10 =	sld [smem:$0x3FB7];
	_ =	sdelay $0x3  }
0x36: {  	p1 =	seq.s32 s10, $0x1;
	s10 =	sld [smem:$0x3FB8];
	_ =	sdelay $0x3  }
0x37: {  	[smem:$0x3FB8] =	sst s10  }
0x38: {  	s10 =	sld [smem:$0x3FB9]  }
0x39: {  	_ = 	snop;
	(pc) =	sbr.ind lr, $3  }
0x3a: {  	_ = 	snop  }
0x3b: {  	_ = 	snop  }
0x3c: {  	p2 =	seq.s32 s10, $0x1;
	s10 =	sld [smem:$0x3FB8]  }
0x3d: {  	_ =	shalt  }
0x3e: {  	_ =	shalt  }
0x3f: {  	_ =	shalt  }
0x40: {  	_ =	shalt  }
0x41: {  	_ =	shalt  }
0x42: {  	_ =	shalt  }
0x43: {  	_ =	shalt  }
0x44: {  	_ =	shalt  }
0x45: {  	_ =	shalt  }
0x46: {  	_ =	shalt  }
0x47: {  	_ =	shalt  }
0x48: {  	_ =	shalt  }
0x49: {  	_ =	shalt  }
0x4a: {  	_ =	shalt  }
0x4b: {  	_ =	shalt  }
0x4c: {  	_ =	shalt  }
0x4d: {  	_ =	shalt  }
0x4e: {  	_ =	shalt  }
0x4f: {  	_ =	shalt  }
0x50: {  	_ =	shalt  }
0x51: {  	_ =	shalt  }
0x52: {  	_ =	shalt  }
0x53: {  	_ =	shalt  }
0x54: {  	_ =	shalt  }
0x55: {  	_ =	shalt  }
0x56: {  	_ =	shalt  }
0x57: {  	_ =	shalt  }
0x58: {  	_ =	shalt  }
0x59: {  	_ =	shalt  }
0x5a: {  	_ =	shalt  }
0x5b: {  	_ =	shalt  }
0x5c: {  	_ =	shalt  }
0x5d: {  	_ =	shalt  }
0x5e: {  	_ =	shalt  }
0x5f: {  	_ =	shalt  }
0x60: {  	_ =	shalt  }
0x61: {  	_ =	shalt  }
0x62: {  	_ =	shalt  }
0x63: {  	_ =	shalt  }
0x64: {  	_ =	shalt  }
0x65: {  	_ =	shalt  }
0x66: {  	_ =	shalt  }
0x67: {  	_ =	shalt  }
0x68: {  	_ =	shalt  }
0x69: {  	_ =	shalt  }
0x6a: {  	_ =	shalt  }
0x6b: {  	_ =	shalt  }
0x6c: {  	_ =	shalt  }
0x6d: {  	_ =	shalt  }
0x6e: {  	_ =	shalt  }
0x6f: {  	_ =	shalt  }
0x70: {  	_ =	shalt  }
0x71: {  	_ =	shalt  }
0x72: {  	_ =	shalt  }
0x73: {  	_ =	shalt  }
0x74: {  	_ =	shalt  }
0x75: {  	_ =	shalt  }
0x76: {  	_ =	shalt  }
0x77: {  	_ =	shalt  }
0x78: {  	_ =	shalt  }
0x79: {  	_ =	shalt  }
0x7a: {  	_ =	shalt  }
0x7b: {  	_ =	shalt  }
0x7c: {  	_ =	shalt  }
0x7d: {  	_ =	shalt  }
0x7e: {  	_ =	shalt  }
0x7f: {  	_ =	shalt  }
0x80: {  	_ =	shalt  }
0x81: {  	_ =	shalt  }
0x82: {  	_ =	shalt  }
0x83: {  	_ =	shalt  }
0x84: {  	_ =	shalt  }
0x85: {  	_ =	shalt  }
0x86: {  	_ =	shalt  }
0x87: {  	_ =	shalt  }
.Lfunc_end0:
.L_simem_size_0:
called_computation.2_lowered:
.L_overlay_start_0:
0x88: {  	s2 =	sld [smem:$0x3FD9]  }
0x89: {  	s3 =	sld [smem:$0x3FFE];
	_ =	sdelay $0x1  }
0x8a: {  	s1 =	srdreg.scid  }
0x8b: {  	s0 =	sand.u32 $0x1, s1  }
0x8c: {  	s16 =	sshll.u32 s0, $0xA;
	s2 =	sadd.s32 s3, s2  }
0x8d: {  	s2 =	sadd.s32 s2, s16  }
0x8e: {  	[smem:$0x3FC4] =	sst s2  }
0x8f: {  	_ = 	snop  }
0x90: {  	(tm) =	ssettm $0x1  }
0x91: {  	s17 =	sld [smem:$0x3FFB];
	_ =	sdelay $0x3  }
0x92: {  	_ =	strace s17  }
0x93: {  	s2 =	sld [smem:$0x3FFC];
	_ =	sdelay $0x3  }
0x94: {  	_ =	strace s2  }
0x95: {  	s2 =	sld [smem:$0x3FFD];
	_ =	sdelay $0x3  }
0x96: {  	_ =	strace s2  }
0x97: {  	_ =	strace $0x8FFFFFFF  }
0x98: {  	s18 =	sld [smem:$0x3FDB];
	_ =	sdelay $0x1  }
0x99: {  	s19 =	simm.s32 $_scs_section_size  }
0x9a: {  	s4 =	simm.s32 $_size__tile_overlayer_lowered;
	s5 =	simm.s32 $_tile_overlayer_lowered  }
0x9b: {  	s22 =	simm.s32 $0x1BFF;
	s21 =	sshll.u32 s5, $0x1;
	s2 =	sadd.s32 s19, s18  }
0x9c: {  	s6 =	simm.s32 $0x0;
	s20 =	sshll.u32 s4, $0x1;
	s4 =	sadd.s32 s21, s2  }
0x9d: {  	[timem:s6], [sflag:s22] =	dma.local [hbm:s4], s20  }
0x9e: {  	_ =	swait.ge [sflag:s22], s20  }
0x9f: {  	s3 =	ssub.s32 $0x0, s20;
	[sflag:s22] =	ssyncset.done $0x0  }
0xa0: {  	[sflag:s22] =	ssyncadd.s32 s3;
	_ =	sdelay $0x1  }
0xa1: {  	s23 =	simm.s32 $0x1B8B  }
0xa2: {  	_ =	swait.ge [sflag:s23], $0x1  }
0xa3: {  	[sflag:s23] =	ssyncset.done $0x0  }
0xa4: {  	s25 =	simm.s32 $0x1B8E;
	s24 =	sld [smem:$0x3FFE];
	[sflag:s23] =	ssyncadd.s32 $0xFFFFFFFF  }
0xa5: {  	s26 =	simm.s32 $execute0_lowered;
	[smem:$0x3FD2] =	sst s25  }
0xa6: {  	s4 =	sshll.u32 s26, $0x1;
	_ =	strace $0x80000049;
	[dreg:$0x1] =	wrdreg $0xFFFFFFFF  }
0xa7: {  	s28 =	simm.s32 $_size_execute0_lowered;
	s2 =	sadd.s32 s2, s4;
	[dreg:$0x0] =	wrdreg $0x0  }
0xa8: {  	s4 =	sshll.u32 s28, $0x1;
	[dreg:$0x2] =	wrdreg s2  }
0xa9: {  	[dreg:$0x3] =	wrdreg s4  }
0xaa: {  	[dreg:$0x4] =	wrdreg $0xC0  }
0xab: {  	_ =	task [dreg:s6], $0x5FFFF  }
0xac: {  	[dreg:$0x1] =	wrdreg $0xFFFFFFFF  }
0xad: {  	[dreg:$0x0] =	wrdreg $0x60  }
0xae: {  	[dreg:$0x2] =	wrdreg s24  }
0xaf: {  	[dreg:$0x3] =	wrdreg $0x9  }
0xb0: {  	_ =	task.clear_ibuf [dreg:s6], $0x4FFFF;
	_ =	strace $0x90000049  }
0xb1: {  	s29 =	simm.s32 $0x9;
	_ =	strace $0x8000004B  }
0xb2: {  	_ =	swait.ge [sflag:s29], $0x1  }
0xb3: {  	[sflag:s29] =	ssyncadd.s32 $0xFFFFFFFF  }
0xb4: {  	_ =	strace $0x9000004B  }
0xb5: {  	_ =	sfence  }
0xb6: {  	s30 =	sld [smem:$0x0];
	_ =	sdelay $0x2  }
0xb7: {  	s31 =	sshll.u32 s1, $0xD;
	s1 =	sshrl.u32 s1, $0x2  }
0xb8: {  	s3 =	sand.u32 $0x4000, s31;
	s1 =	sadd.s32 s1, s30  }
0xb9: {  	s0 =	sor.u32 s3, s0;
	s1 =	sshll.u32 s1, $0x11  }
0xba: {  	s0 =	sor.u32 s1, s0  }
0xbb: {  	s0 =	sadd.s32 $0x8F2B, s0  }
0xbc: {  	[sflag:s0] =	ssyncadd.remote.s32 $0x1  }
0xbd: {  	_ =	sfence.sel $0xFFFF  }
0xbe: {  	[dreg:$0x0] =	wrdreg $0xFFFFFFFF;
	(pc) =	sbr.abs _section_cstart, $3  }
0xbf: {  	[dreg:$0x1] =	wrdreg $0xFFFFFFFF  }
0xc0: {  	_ =	task.clear_ibuf [dreg:s6], $0x2FFFF;
	_ =	strace $0x9FFFFFFF  }
0xc1: {  	(tm) =	ssettm $0x7FFFFFFF  }
tec
execute0_lowered:
.L_overlay_start_1:
0x0: {  	(tag) =	ssettag $0x1  }
0x1: {  	s1 =	rddreg [dreg:$0x0]  }
0x2: {  	s0 =	srdreg.scid;
	s2 =	simm.s32 $0x0;
	s6 =	stileid.u32  }
0x3: {  	s7 =	simm.s32 $0x1800;
	s21 =	simm.s32 $0x2000;
	s22 =	simm.s32 $0x2800  }
0x4: {  	s23 =	simm.s32 $0x3000;
	s24 =	simm.s32 $0x3800;
	s25 =	simm.s32 $0x4000  }
0x5: {  	s9 =	simm.s32 $0x4800;
	s10 =	simm.s32 $0x5000;
	[smem:$0x7FF] =	sst s2  }
0x6: {  	s11 =	simm.s32 $0x5800;
	_ =	strace $0x8000004A;
	[dreg:$0x2] =	wrdreg s7  }
0x7: {  	s12 =	simm.s32 $0x6000;
	s13 =	simm.s32 $0x6800;
	[dreg:$0x3] =	wrdreg s21  }
0x8: {  	s14 =	simm.s32 $0x7000;
	s15 =	simm.s32 $0x7800;
	[dreg:$0x4] =	wrdreg s22  }
0x9: {  	s16 =	simm.s32 $0x8000;
	s17 =	simm.s32 $0x8800;
	[dreg:$0x5] =	wrdreg s23  }
0xa: {  	s18 =	simm.s32 $0x9000;
	s26 =	simm.s32 $0xA800;
	[dreg:$0x6] =	wrdreg s24  }
0xb: {  	s28 =	simm.s32 $0xF800;
	s29 =	simm.s32 $0x10000;
	[dreg:$0x7] =	wrdreg s25  }
0xc: {  	s30 =	simm.s32 $0x10800;
	s31 =	simm.s32 $0x1;
	[dreg:$0x8] =	wrdreg s9  }
0xd: {  	s0 =	sand.u32 $0x1, s0;
	s3 =	sshll.u32 s6, $0xA;
	[dreg:$0x9] =	wrdreg s10  }
0xe: {  	s19 =	sshll.u32 s6, $0x13;
	s6 =	sadd.s32 $0x1C00, s1;
	[dreg:$0xa] =	wrdreg s11  }
0xf: {  	s4 =	sshll.u32 s0, $0x9;
	s20 =	ssub.s32 $0x2, s0;
	[dreg:$0xb] =	wrdreg s12  }
0x10: {  	s7 =	sadd.s32 $0x1D00, s1;
	s9 =	sadd.s32 $0x1F00, s1;
	[dreg:$0xc] =	wrdreg s13  }
0x11: {  	s10 =	sadd.s32 $0x2000, s1;
	s11 =	sadd.s32 $0x2100, s1;
	[dreg:$0xd] =	wrdreg s14  }
0x12: {  	s12 =	sadd.s32 $0x2200, s1;
	s13 =	sadd.s32 $0x2300, s1;
	[dreg:$0xe] =	wrdreg s15  }
0x13: {  	s14 =	sadd.s32 $0x2400, s1;
	s15 =	sadd.s32 $0x2500, s1;
	[dreg:$0xf] =	wrdreg s16  }
0x14: {  	s16 =	sadd.s32 $0x2600, s1;
	[dreg:$0x10] =	wrdreg s17;
	s17 =	sadd.s32 $0x2700, s1  }
0x15: {  	[dreg:$0x11] =	wrdreg s18;
	s18 =	sadd.s32 $0x2800, s1;
	s21 =	simm.s32 $0xA000  }
0x16: {  	[dreg:$0x14] =	wrdreg s26;
	s0 =	sshll.u32 s0, $0x12;
	s22 =	simm.s32 $0xB800  }
0x17: {  	s23 =	simm.s32 $0xC000;
	s24 =	simm.s32 $0xC800;
	[dreg:$0x13] =	wrdreg s21  }
0x18: {  	s25 =	simm.s32 $0xD000;
	s26 =	simm.s32 $0xD800;
	[dreg:$0x16] =	wrdreg s22  }
0x19: {  	s4 =	sor.u32 s4, s3;
	s3 =	sadd.s32 $0x1A00, s1;
	[dreg:$0x17] =	wrdreg s23  }
0x1a: {  	s8 =	sshrl.u32 s20, $0x1;
	s21 =	simm.s32 $0xB000;
	[dreg:$0x18] =	wrdreg s24  }
0x1b: {  	s22 =	simm.s32 $0x2;
	s23 =	simm.s32 $0x1000;
	[dreg:$0x19] =	wrdreg s25  }
0x1c: {  	[dreg:$0x1a] =	wrdreg s26;
	s24 =	simm.s32 $0xE000;
	s25 =	simm.s32 $0xE800  }
0x1d: {  	s26 =	simm.s32 $0xF000;
	s5 =	sadd.s32 s4, s1;
	s4 =	sadd.s32 s19, s1  }
0x1e: {  	s20 =	ssub.s32 s20, s8;
	s19 =	simm.s32 $0x9800;
	[dreg:$0x15] =	wrdreg s21  }
0x1f: {  	s8 =	sadd.s32 $0x1E00, s1;
	s5 =	sadd.s32 $0x186CA00, s5;
	[dreg:$0x12] =	wrdreg s19  }
0x20: {  	v2 =	vlaneseq.u32;
	s20 =	smax.u32 s20, $0x1;
	s0 =	sadd.s32 s0, s4;
	[dreg:$0x1b] =	wrdreg s5  }
0x21: {  	vm0 =	vmmov $0xffff;
	v1 =	vshrl.u32 v2, $0x3;
	s19 =	sadd.s32 $0x2900, s1;
	[dreg:$0x1c] =	wrdreg s20;
	s0 =	sadd.s32 $0x1870A00, s0  }
0x22: {  	v0 =	vand.u32 $0x7, v2;
	v2 =	vor.u32 $0x8, v2;
	v1 =	vmul.u32 $0x8, v1;
	s5 =	sadd.s32 $0x1B00, s1;
	s1 =	simm.s32 $0x0;
	[dreg:$0x1d] =	wrdreg s0  }
.LBB2_1:
0x23: {  	[dreg:$0x1e] =	wrdreg s1  }
0x24: {  	s0 =	rddreg [dreg:$0x1b]  }
0x25: {  	[tilespmem:s2], [sflag:$0x2] =	stream.linear.gather [hbm4b:s0+s2], $0x1000, $0x38;
	[tilespmem:$0x11000] =	vst v63  }
0x26: {  	_ =	swait.ge [sflag:s22], $0x1000  }
0x27: {  	[sflag:s22] =	ssyncset.done $0x0  }
0x28: {  	s20 =	simm.s32 $0x0;
	[sflag:s22] =	ssyncadd.s32 $0xFFFFF000  }
0x29: {  	v3 =	vld [tilespmem:s20+$0x0];
	_ =	sdelay $0x4  }
0x2a: {  	v4 =	vshll.u32 v3, $0x5  }
0x2b: {  	v3 =	vand.u32 $0x7, v3;
	v4 =	vand.u32 $0xFFFFFF00, v4  }
0x2c: {  	v3 =	vor.u32 v3, v4  }
0x2d: {  	v4 =	vperm.xlane v3, v0;
	_ =	sdelay $0x1  }
0x2e: {  	v4 =	vadd.s32 v1, v4;
	_ =	sdelay $0x4  }
0x2f: {  	[tilespmem:s23], [sflag:$0x1] =	stream.indirect_vreg.gather [hbm4b:s3+s2], $0x80, v4, vm0, $0xb8;
	[tilespmem:$0x11000] =	vst v63  }
0x30: {  	s21 =	rddreg [dreg:$0x2]  }
0x31: {  	[tilespmem:s21], [sflag:$0x1] =	stream.indirect_vreg.gather [hbm4b:s5+s2], $0x80, v4, vm0, $0xb8;
	[tilespmem:$0x11000] =	vst v63  }
0x32: {  	s4 =	rddreg [dreg:$0x3]  }
0x33: {  	[tilespmem:s4], [sflag:$0x1] =	stream.indirect_vreg.gather [hbm4b:s6+s2], $0x80, v4, vm0, $0xb8;
	[tilespmem:$0x11000] =	vst v63  }
0x34: {  	s0 =	rddreg [dreg:$0x4]  }
0x35: {  	[tilespmem:s0], [sflag:$0x1] =	stream.indirect_vreg.gather [hbm4b:s7+s2], $0x80, v4, vm0, $0xb8;
	[tilespmem:$0x11000] =	vst v63  }
0x36: {  	s20 =	rddreg [dreg:$0x5]  }
0x37: {  	[tilespmem:s20], [sflag:$0x1] =	stream.indirect_vreg.gather [hbm4b:s8+s2], $0x80, v4, vm0, $0xb8;
	[tilespmem:$0x11000] =	vst v63  }
0x38: {  	s21 =	rddreg [dreg:$0x6]  }
0x39: {  	[tilespmem:s21], [sflag:$0x1] =	stream.indirect_vreg.gather [hbm4b:s9+s2], $0x80, v4, vm0, $0xb8;
	[tilespmem:$0x11000] =	vst v63  }
0x3a: {  	s0 =	rddreg [dreg:$0x7]  }
0x3b: {  	[tilespmem:s0], [sflag:$0x1] =	stream.indirect_vreg.gather [hbm4b:s10+s2], $0x80, v4, vm0, $0xb8;
	[tilespmem:$0x11000] =	vst v63  }
0x3c: {  	s20 =	rddreg [dreg:$0x8]  }
0x3d: {  	[tilespmem:s20], [sflag:$0x1] =	stream.indirect_vreg.gather [hbm4b:s11+s2], $0x80, v4, vm0, $0xb8;
	[tilespmem:$0x11000] =	vst v63  }
0x3e: {  	s21 =	rddreg [dreg:$0x9]  }
0x3f: {  	[tilespmem:s21], [sflag:$0x1] =	stream.indirect_vreg.gather [hbm4b:s12+s2], $0x80, v4, vm0, $0xb8;
	[tilespmem:$0x11000] =	vst v63  }
0x40: {  	s0 =	rddreg [dreg:$0xa]  }
0x41: {  	[tilespmem:s0], [sflag:$0x1] =	stream.indirect_vreg.gather [hbm4b:s13+s2], $0x80, v4, vm0, $0xb8;
	[tilespmem:$0x11000] =	vst v63  }
0x42: {  	s20 =	rddreg [dreg:$0xb]  }
0x43: {  	[tilespmem:s20], [sflag:$0x1] =	stream.indirect_vreg.gather [hbm4b:s14+s2], $0x80, v4, vm0, $0xb8;
	[tilespmem:$0x11000] =	vst v63  }
0x44: {  	s21 =	rddreg [dreg:$0xc]  }
0x45: {  	[tilespmem:s21], [sflag:$0x1] =	stream.indirect_vreg.gather [hbm4b:s15+s2], $0x80, v4, vm0, $0xb8;
	[tilespmem:$0x11000] =	vst v63  }
0x46: {  	s0 =	rddreg [dreg:$0xd]  }
0x47: {  	[tilespmem:s0], [sflag:$0x1] =	stream.indirect_vreg.gather [hbm4b:s16+s2], $0x80, v4, vm0, $0xb8;
	[tilespmem:$0x11000] =	vst v63  }
0x48: {  	v3 =	vperm.xlane v3, v2;
	s20 =	rddreg [dreg:$0xe]  }
0x49: {  	[tilespmem:s20], [sflag:$0x1] =	stream.indirect_vreg.gather [hbm4b:s17+s2], $0x80, v4, vm0, $0xb8;
	[tilespmem:$0x11000] =	vst v63  }
0x4a: {  	v3 =	vadd.s32 v1, v3;
	s21 =	rddreg [dreg:$0xf]  }
0x4b: {  	[tilespmem:s21], [sflag:$0x1] =	stream.indirect_vreg.gather [hbm4b:s18+s2], $0x80, v4, vm0, $0xb8;
	[tilespmem:$0x11000] =	vst v63  }
0x4c: {  	s0 =	rddreg [dreg:$0x10]  }
0x4d: {  	[tilespmem:s0], [sflag:$0x1] =	stream.indirect_vreg.gather [hbm4b:s19+s2], $0x80, v4, vm0, $0xb8;
	[tilespmem:$0x11000] =	vst v63  }
0x4e: {  	s20 =	rddreg [dreg:$0x11]  }
0x4f: {  	[tilespmem:s20], [sflag:$0x1] =	stream.indirect_vreg.gather [hbm4b:s3+s2], $0x80, v3, vm0, $0xb8;
	[tilespmem:$0x11000] =	vst v63  }
0x50: {  	s21 =	rddreg [dreg:$0x12]  }
0x51: {  	[tilespmem:s21], [sflag:$0x1] =	stream.indirect_vreg.gather [hbm4b:s5+s2], $0x80, v3, vm0, $0xb8;
	[tilespmem:$0x11000] =	vst v63  }
0x52: {  	s0 =	rddreg [dreg:$0x13]  }
0x53: {  	[tilespmem:s0], [sflag:$0x1] =	stream.indirect_vreg.gather [hbm4b:s6+s2], $0x80, v3, vm0, $0xb8;
	[tilespmem:$0x11000] =	vst v63  }
0x54: {  	s20 =	rddreg [dreg:$0x14]  }
0x55: {  	[tilespmem:s20], [sflag:$0x1] =	stream.indirect_vreg.gather [hbm4b:s7+s2], $0x80, v3, vm0, $0xb8;
	[tilespmem:$0x11000] =	vst v63  }
0x56: {  	s21 =	rddreg [dreg:$0x15]  }
0x57: {  	[tilespmem:s21], [sflag:$0x1] =	stream.indirect_vreg.gather [hbm4b:s8+s2], $0x80, v3, vm0, $0xb8;
	[tilespmem:$0x11000] =	vst v63  }
0x58: {  	s0 =	rddreg [dreg:$0x16]  }
0x59: {  	[tilespmem:s0], [sflag:$0x1] =	stream.indirect_vreg.gather [hbm4b:s9+s2], $0x80, v3, vm0, $0xb8;
	[tilespmem:$0x11000] =	vst v63  }
0x5a: {  	s20 =	rddreg [dreg:$0x17]  }
0x5b: {  	[tilespmem:s20], [sflag:$0x1] =	stream.indirect_vreg.gather [hbm4b:s10+s2], $0x80, v3, vm0, $0xb8;
	[tilespmem:$0x11000] =	vst v63  }
0x5c: {  	s21 =	rddreg [dreg:$0x18]  }
0x5d: {  	[tilespmem:s21], [sflag:$0x1] =	stream.indirect_vreg.gather [hbm4b:s11+s2], $0x80, v3, vm0, $0xb8;
	[tilespmem:$0x11000] =	vst v63  }
0x5e: {  	s0 =	rddreg [dreg:$0x19]  }
0x5f: {  	[tilespmem:s0], [sflag:$0x1] =	stream.indirect_vreg.gather [hbm4b:s12+s2], $0x80, v3, vm0, $0xb8;
	[tilespmem:$0x11000] =	vst v63  }
0x60: {  	s20 =	rddreg [dreg:$0x1a]  }
0x61: {  	[tilespmem:s20], [sflag:$0x1] =	stream.indirect_vreg.gather [hbm4b:s13+s2], $0x80, v3, vm0, $0xb8;
	[tilespmem:$0x11000] =	vst v63  }
0x62: {  	_ = 	snop  }
0x63: {  	[tilespmem:s24], [sflag:$0x1] =	stream.indirect_vreg.gather [hbm4b:s14+s2], $0x80, v3, vm0, $0xb8;
	[tilespmem:$0x11000] =	vst v63  }
0x64: {  	_ = 	snop  }
0x65: {  	[tilespmem:s25], [sflag:$0x1] =	stream.indirect_vreg.gather [hbm4b:s15+s2], $0x80, v3, vm0, $0xb8;
	[tilespmem:$0x11000] =	vst v63  }
0x66: {  	_ = 	snop  }
0x67: {  	[tilespmem:s26], [sflag:$0x1] =	stream.indirect_vreg.gather [hbm4b:s16+s2], $0x80, v3, vm0, $0xb8;
	[tilespmem:$0x11000] =	vst v63  }
0x68: {  	_ = 	snop  }
0x69: {  	[tilespmem:s28], [sflag:$0x1] =	stream.indirect_vreg.gather [hbm4b:s17+s2], $0x80, v3, vm0, $0xb8;
	[tilespmem:$0x11000] =	vst v63  }
0x6a: {  	_ = 	snop  }
0x6b: {  	[tilespmem:s29], [sflag:$0x1] =	stream.indirect_vreg.gather [hbm4b:s18+s2], $0x80, v3, vm0, $0xb8;
	[tilespmem:$0x11000] =	vst v63  }
0x6c: {  	_ = 	snop  }
0x6d: {  	[tilespmem:s30], [sflag:$0x1] =	stream.indirect_vreg.gather [hbm4b:s19+s2], $0x80, v3, vm0, $0xb8;
	[tilespmem:$0x11000] =	vst v63  }
0x6e: {  	_ =	swait.ge [sflag:s31], $0x10000  }
0x6f: {  	[sflag:s31] =	ssyncset.done $0x0  }
0x70: {  	s21 =	rddreg [dreg:$0x1d];
	[sflag:s31] =	ssyncadd.s32 $0xFFFF0000  }
0x71: {  	[hbm4b:s21+s2] =	stream.linear.scatter [tilespmem:s23], [sflag:$0x2], $0x10000, $0x38;
	[tilespmem:$0x11000] =	vst v63  }
0x72: {  	s4 =	simm.s32 $0x200;
	_ =	swait.ge [sflag:s22], $0x10000  }
0x73: {  	s20 =	simm.s32 $0x400;
	s1 =	sadd.s32 $0x2000, s21;
	[sflag:s22] =	ssyncset.done $0x0  }
.LBB2_2:
0x74: {  	s0 =	sshra.s32 s4, $0x2;
	[sflag:s22] =	ssyncadd.s32 $0xFFFF0000  }
0x75: {  	v3 =	vld [tilespmem:s0+$0x0];
	_ =	sdelay $0x4  }
0x76: {  	v4 =	vshll.u32 v3, $0x5  }
0x77: {  	v3 =	vand.u32 $0x7, v3;
	v4 =	vand.u32 $0xFFFFFF00, v4  }
0x78: {  	v3 =	vor.u32 v3, v4  }
0x79: {  	v4 =	vperm.xlane v3, v0;
	_ =	sdelay $0x1  }
0x7a: {  	v4 =	vadd.s32 v1, v4;
	_ =	sdelay $0x4  }
0x7b: {  	[tilespmem:s23], [sflag:$0x1] =	stream.indirect_vreg.gather [hbm4b:s3+s2], $0x80, v4, vm0, $0xb8;
	[tilespmem:$0x11000] =	vst v63  }
0x7c: {  	s4 =	smov.u32 s20;
	s0 =	rddreg [dreg:$0x2]  }
0x7d: {  	[tilespmem:s0], [sflag:$0x1] =	stream.indirect_vreg.gather [hbm4b:s5+s2], $0x80, v4, vm0, $0xb8;
	[tilespmem:$0x11000] =	vst v63  }
0x7e: {  	s21 =	sadd.s32 $0x200, s20;
	p0 =	sne.s32 s20, $0x3E00;
	s20 =	rddreg [dreg:$0x3]  }
0x7f: {  	[tilespmem:s20], [sflag:$0x1] =	stream.indirect_vreg.gather [hbm4b:s6+s2], $0x80, v4, vm0, $0xb8;
	[tilespmem:$0x11000] =	vst v63  }
0x80: {  	s0 =	rddreg [dreg:$0x4]  }
0x81: {  	[tilespmem:s0], [sflag:$0x1] =	stream.indirect_vreg.gather [hbm4b:s7+s2], $0x80, v4, vm0, $0xb8;
	[tilespmem:$0x11000] =	vst v63  }
0x82: {  	s20 =	rddreg [dreg:$0x5]  }
0x83: {  	[tilespmem:s20], [sflag:$0x1] =	stream.indirect_vreg.gather [hbm4b:s8+s2], $0x80, v4, vm0, $0xb8;
	[tilespmem:$0x11000] =	vst v63  }
0x84: {  	s0 =	rddreg [dreg:$0x6]  }
0x85: {  	[tilespmem:s0], [sflag:$0x1] =	stream.indirect_vreg.gather [hbm4b:s9+s2], $0x80, v4, vm0, $0xb8;
	[tilespmem:$0x11000] =	vst v63  }
0x86: {  	s20 =	rddreg [dreg:$0x7]  }
0x87: {  	[tilespmem:s20], [sflag:$0x1] =	stream.indirect_vreg.gather [hbm4b:s10+s2], $0x80, v4, vm0, $0xb8;
	[tilespmem:$0x11000] =	vst v63  }
0x88: {  	s0 =	rddreg [dreg:$0x8]  }
0x89: {  	[tilespmem:s0], [sflag:$0x1] =	stream.indirect_vreg.gather [hbm4b:s11+s2], $0x80, v4, vm0, $0xb8;
	[tilespmem:$0x11000] =	vst v63  }
0x8a: {  	s20 =	rddreg [dreg:$0x9]  }
0x8b: {  	[tilespmem:s20], [sflag:$0x1] =	stream.indirect_vreg.gather [hbm4b:s12+s2], $0x80, v4, vm0, $0xb8;
	[tilespmem:$0x11000] =	vst v63  }
0x8c: {  	s0 =	rddreg [dreg:$0xa]  }
0x8d: {  	[tilespmem:s0], [sflag:$0x1] =	stream.indirect_vreg.gather [hbm4b:s13+s2], $0x80, v4, vm0, $0xb8;
	[tilespmem:$0x11000] =	vst v63  }
0x8e: {  	s20 =	rddreg [dreg:$0xb]  }
0x8f: {  	[tilespmem:s20], [sflag:$0x1] =	stream.indirect_vreg.gather [hbm4b:s14+s2], $0x80, v4, vm0, $0xb8;
	[tilespmem:$0x11000] =	vst v63  }
0x90: {  	s0 =	rddreg [dreg:$0xc]  }
0x91: {  	[tilespmem:s0], [sflag:$0x1] =	stream.indirect_vreg.gather [hbm4b:s15+s2], $0x80, v4, vm0, $0xb8;
	[tilespmem:$0x11000] =	vst v63  }
0x92: {  	s20 =	rddreg [dreg:$0xd]  }
0x93: {  	[tilespmem:s20], [sflag:$0x1] =	stream.indirect_vreg.gather [hbm4b:s16+s2], $0x80, v4, vm0, $0xb8;
	[tilespmem:$0x11000] =	vst v63  }
0x94: {  	v3 =	vperm.xlane v3, v2;
	s0 =	rddreg [dreg:$0xe]  }
0x95: {  	[tilespmem:s0], [sflag:$0x1] =	stream.indirect_vreg.gather [hbm4b:s17+s2], $0x80, v4, vm0, $0xb8;
	[tilespmem:$0x11000] =	vst v63  }
0x96: {  	v3 =	vadd.s32 v1, v3;
	s20 =	rddreg [dreg:$0xf]  }
0x97: {  	[tilespmem:s20], [sflag:$0x1] =	stream.indirect_vreg.gather [hbm4b:s18+s2], $0x80, v4, vm0, $0xb8;
	[tilespmem:$0x11000] =	vst v63  }
0x98: {  	s0 =	rddreg [dreg:$0x10]  }
0x99: {  	[tilespmem:s0], [sflag:$0x1] =	stream.indirect_vreg.gather [hbm4b:s19+s2], $0x80, v4, vm0, $0xb8;
	[tilespmem:$0x11000] =	vst v63  }
0x9a: {  	s20 =	rddreg [dreg:$0x11]  }
0x9b: {  	[tilespmem:s20], [sflag:$0x1] =	stream.indirect_vreg.gather [hbm4b:s3+s2], $0x80, v3, vm0, $0xb8;
	[tilespmem:$0x11000] =	vst v63  }
0x9c: {  	s0 =	rddreg [dreg:$0x12]  }
0x9d: {  	[tilespmem:s0], [sflag:$0x1] =	stream.indirect_vreg.gather [hbm4b:s5+s2], $0x80, v3, vm0, $0xb8;
	[tilespmem:$0x11000] =	vst v63  }
0x9e: {  	s20 =	rddreg [dreg:$0x13]  }
0x9f: {  	[tilespmem:s20], [sflag:$0x1] =	stream.indirect_vreg.gather [hbm4b:s6+s2], $0x80, v3, vm0, $0xb8;
	[tilespmem:$0x11000] =	vst v63  }
0xa0: {  	s0 =	rddreg [dreg:$0x14]  }
0xa1: {  	[tilespmem:s0], [sflag:$0x1] =	stream.indirect_vreg.gather [hbm4b:s7+s2], $0x80, v3, vm0, $0xb8;
	[tilespmem:$0x11000] =	vst v63  }
0xa2: {  	s20 =	rddreg [dreg:$0x15]  }
0xa3: {  	[tilespmem:s20], [sflag:$0x1] =	stream.indirect_vreg.gather [hbm4b:s8+s2], $0x80, v3, vm0, $0xb8;
	[tilespmem:$0x11000] =	vst v63  }
0xa4: {  	s0 =	rddreg [dreg:$0x16]  }
0xa5: {  	[tilespmem:s0], [sflag:$0x1] =	stream.indirect_vreg.gather [hbm4b:s9+s2], $0x80, v3, vm0, $0xb8;
	[tilespmem:$0x11000] =	vst v63  }
0xa6: {  	s20 =	rddreg [dreg:$0x17]  }
0xa7: {  	[tilespmem:s20], [sflag:$0x1] =	stream.indirect_vreg.gather [hbm4b:s10+s2], $0x80, v3, vm0, $0xb8;
	[tilespmem:$0x11000] =	vst v63  }
0xa8: {  	s0 =	rddreg [dreg:$0x18]  }
0xa9: {  	[tilespmem:s0], [sflag:$0x1] =	stream.indirect_vreg.gather [hbm4b:s11+s2], $0x80, v3, vm0, $0xb8;
	[tilespmem:$0x11000] =	vst v63  }
0xaa: {  	s20 =	rddreg [dreg:$0x19]  }
0xab: {  	[tilespmem:s20], [sflag:$0x1] =	stream.indirect_vreg.gather [hbm4b:s12+s2], $0x80, v3, vm0, $0xb8;
	[tilespmem:$0x11000] =	vst v63  }
0xac: {  	s0 =	rddreg [dreg:$0x1a]  }
0xad: {  	[tilespmem:s0], [sflag:$0x1] =	stream.indirect_vreg.gather [hbm4b:s13+s2], $0x80, v3, vm0, $0xb8;
	[tilespmem:$0x11000] =	vst v63  }
0xae: {  	_ = 	snop  }
0xaf: {  	[tilespmem:s24], [sflag:$0x1] =	stream.indirect_vreg.gather [hbm4b:s14+s2], $0x80, v3, vm0, $0xb8;
	[tilespmem:$0x11000] =	vst v63  }
0xb0: {  	_ = 	snop  }
0xb1: {  	[tilespmem:s25], [sflag:$0x1] =	stream.indirect_vreg.gather [hbm4b:s15+s2], $0x80, v3, vm0, $0xb8;
	[tilespmem:$0x11000] =	vst v63  }
0xb2: {  	_ = 	snop  }
0xb3: {  	[tilespmem:s26], [sflag:$0x1] =	stream.indirect_vreg.gather [hbm4b:s16+s2], $0x80, v3, vm0, $0xb8;
	[tilespmem:$0x11000] =	vst v63  }
0xb4: {  	_ = 	snop  }
0xb5: {  	[tilespmem:s28], [sflag:$0x1] =	stream.indirect_vreg.gather [hbm4b:s17+s2], $0x80, v3, vm0, $0xb8;
	[tilespmem:$0x11000] =	vst v63  }
0xb6: {  	_ = 	snop  }
0xb7: {  	[tilespmem:s29], [sflag:$0x1] =	stream.indirect_vreg.gather [hbm4b:s18+s2], $0x80, v3, vm0, $0xb8;
	[tilespmem:$0x11000] =	vst v63  }
0xb8: {  	_ = 	snop  }
0xb9: {  	[tilespmem:s30], [sflag:$0x1] =	stream.indirect_vreg.gather [hbm4b:s19+s2], $0x80, v3, vm0, $0xb8;
	[tilespmem:$0x11000] =	vst v63  }
0xba: {  	_ =	swait.ge [sflag:s31], $0x10000  }
.Ltmp0:
0xbb: {  	[sflag:s31] =	ssyncset.done $0x0;
	(pc) =	sbr.rel @p0 .LBB2_2-.Ltmp0, $4  }
0xbc: {  	[sflag:s31] =	ssyncadd.s32 $0xFFFF0000  }
0xbd: {  	[hbm4b:s1+s2] =	stream.linear.scatter [tilespmem:s23], [sflag:$0x2], $0x10000, $0x38;
	[tilespmem:$0x11000] =	vst v63  }
0xbe: {  	_ =	swait.ge [sflag:s22], $0x10000  }
0xbf: {  	s20 =	smov.u32 s21;
	s1 =	sadd.s32 $0x2000, s1;
	[sflag:s22] =	ssyncset.done $0x0  }
0xc0: {  	s0 =	sshra.s32 s4, $0x2;
	[sflag:s22] =	ssyncadd.s32 $0xFFFF0000  }
0xc1: {  	v3 =	vld [tilespmem:s0+$0x0];
	_ =	sdelay $0x4  }
0xc2: {  	v4 =	vshll.u32 v3, $0x5  }
0xc3: {  	v3 =	vand.u32 $0x7, v3;
	v4 =	vand.u32 $0xFFFFFF00, v4  }
0xc4: {  	v3 =	vor.u32 v3, v4  }
0xc5: {  	v4 =	vperm.xlane v3, v0;
	_ =	sdelay $0x1  }
0xc6: {  	v4 =	vadd.s32 v1, v4;
	_ =	sdelay $0x4  }
0xc7: {  	[tilespmem:s23], [sflag:$0x1] =	stream.indirect_vreg.gather [hbm4b:s3+s2], $0x80, v4, vm0, $0xb8;
	[tilespmem:$0x11000] =	vst v63  }
0xc8: {  	s4 =	rddreg [dreg:$0x2]  }
0xc9: {  	[tilespmem:s4], [sflag:$0x1] =	stream.indirect_vreg.gather [hbm4b:s5+s2], $0x80, v4, vm0, $0xb8;
	[tilespmem:$0x11000] =	vst v63  }
0xca: {  	s20 =	rddreg [dreg:$0x3]  }
0xcb: {  	[tilespmem:s20], [sflag:$0x1] =	stream.indirect_vreg.gather [hbm4b:s6+s2], $0x80, v4, vm0, $0xb8;
	[tilespmem:$0x11000] =	vst v63  }
0xcc: {  	s21 =	rddreg [dreg:$0x4]  }
0xcd: {  	[tilespmem:s21], [sflag:$0x1] =	stream.indirect_vreg.gather [hbm4b:s7+s2], $0x80, v4, vm0, $0xb8;
	[tilespmem:$0x11000] =	vst v63  }
0xce: {  	s20 =	rddreg [dreg:$0x5]  }
0xcf: {  	[tilespmem:s20], [sflag:$0x1] =	stream.indirect_vreg.gather [hbm4b:s8+s2], $0x80, v4, vm0, $0xb8;
	[tilespmem:$0x11000] =	vst v63  }
0xd0: {  	s21 =	rddreg [dreg:$0x6]  }
0xd1: {  	[tilespmem:s21], [sflag:$0x1] =	stream.indirect_vreg.gather [hbm4b:s9+s2], $0x80, v4, vm0, $0xb8;
	[tilespmem:$0x11000] =	vst v63  }
0xd2: {  	s20 =	rddreg [dreg:$0x7]  }
0xd3: {  	[tilespmem:s20], [sflag:$0x1] =	stream.indirect_vreg.gather [hbm4b:s10+s2], $0x80, v4, vm0, $0xb8;
	[tilespmem:$0x11000] =	vst v63  }
0xd4: {  	s21 =	rddreg [dreg:$0x8]  }
0xd5: {  	[tilespmem:s21], [sflag:$0x1] =	stream.indirect_vreg.gather [hbm4b:s11+s2], $0x80, v4, vm0, $0xb8;
	[tilespmem:$0x11000] =	vst v63  }
0xd6: {  	s20 =	rddreg [dreg:$0x9]  }
0xd7: {  	[tilespmem:s20], [sflag:$0x1] =	stream.indirect_vreg.gather [hbm4b:s12+s2], $0x80, v4, vm0, $0xb8;
	[tilespmem:$0x11000] =	vst v63  }
0xd8: {  	s21 =	rddreg [dreg:$0xa]  }
0xd9: {  	[tilespmem:s21], [sflag:$0x1] =	stream.indirect_vreg.gather [hbm4b:s13+s2], $0x80, v4, vm0, $0xb8;
	[tilespmem:$0x11000] =	vst v63  }
0xda: {  	s20 =	rddreg [dreg:$0xb]  }
0xdb: {  	[tilespmem:s20], [sflag:$0x1] =	stream.indirect_vreg.gather [hbm4b:s14+s2], $0x80, v4, vm0, $0xb8;
	[tilespmem:$0x11000] =	vst v63  }
0xdc: {  	s21 =	rddreg [dreg:$0xc]  }
0xdd: {  	[tilespmem:s21], [sflag:$0x1] =	stream.indirect_vreg.gather [hbm4b:s15+s2], $0x80, v4, vm0, $0xb8;
	[tilespmem:$0x11000] =	vst v63  }
0xde: {  	s20 =	rddreg [dreg:$0xd]  }
0xdf: {  	[tilespmem:s20], [sflag:$0x1] =	stream.indirect_vreg.gather [hbm4b:s16+s2], $0x80, v4, vm0, $0xb8;
	[tilespmem:$0x11000] =	vst v63  }
0xe0: {  	v3 =	vperm.xlane v3, v2;
	s21 =	rddreg [dreg:$0xe]  }
0xe1: {  	[tilespmem:s21], [sflag:$0x1] =	stream.indirect_vreg.gather [hbm4b:s17+s2], $0x80, v4, vm0, $0xb8;
	[tilespmem:$0x11000] =	vst v63  }
0xe2: {  	v3 =	vadd.s32 v1, v3;
	s20 =	rddreg [dreg:$0xf]  }
0xe3: {  	[tilespmem:s20], [sflag:$0x1] =	stream.indirect_vreg.gather [hbm4b:s18+s2], $0x80, v4, vm0, $0xb8;
	[tilespmem:$0x11000] =	vst v63  }
0xe4: {  	s21 =	rddreg [dreg:$0x10]  }
0xe5: {  	[tilespmem:s21], [sflag:$0x1] =	stream.indirect_vreg.gather [hbm4b:s19+s2], $0x80, v4, vm0, $0xb8;
	[tilespmem:$0x11000] =	vst v63  }
0xe6: {  	s20 =	rddreg [dreg:$0x11]  }
0xe7: {  	[tilespmem:s20], [sflag:$0x1] =	stream.indirect_vreg.gather [hbm4b:s3+s2], $0x80, v3, vm0, $0xb8;
	[tilespmem:$0x11000] =	vst v63  }
0xe8: {  	s21 =	rddreg [dreg:$0x12]  }
0xe9: {  	[tilespmem:s21], [sflag:$0x1] =	stream.indirect_vreg.gather [hbm4b:s5+s2], $0x80, v3, vm0, $0xb8;
	[tilespmem:$0x11000] =	vst v63  }
0xea: {  	s20 =	rddreg [dreg:$0x13]  }
0xeb: {  	[tilespmem:s20], [sflag:$0x1] =	stream.indirect_vreg.gather [hbm4b:s6+s2], $0x80, v3, vm0, $0xb8;
	[tilespmem:$0x11000] =	vst v63  }
0xec: {  	s21 =	rddreg [dreg:$0x14]  }
0xed: {  	[tilespmem:s21], [sflag:$0x1] =	stream.indirect_vreg.gather [hbm4b:s7+s2], $0x80, v3, vm0, $0xb8;
	[tilespmem:$0x11000] =	vst v63  }
0xee: {  	s20 =	rddreg [dreg:$0x15]  }
0xef: {  	[tilespmem:s20], [sflag:$0x1] =	stream.indirect_vreg.gather [hbm4b:s8+s2], $0x80, v3, vm0, $0xb8;
	[tilespmem:$0x11000] =	vst v63  }
0xf0: {  	s21 =	rddreg [dreg:$0x16]  }
0xf1: {  	[tilespmem:s21], [sflag:$0x1] =	stream.indirect_vreg.gather [hbm4b:s9+s2], $0x80, v3, vm0, $0xb8;
	[tilespmem:$0x11000] =	vst v63  }
0xf2: {  	s20 =	rddreg [dreg:$0x17]  }
0xf3: {  	[tilespmem:s20], [sflag:$0x1] =	stream.indirect_vreg.gather [hbm4b:s10+s2], $0x80, v3, vm0, $0xb8;
	[tilespmem:$0x11000] =	vst v63  }
0xf4: {  	s21 =	rddreg [dreg:$0x18]  }
0xf5: {  	[tilespmem:s21], [sflag:$0x1] =	stream.indirect_vreg.gather [hbm4b:s11+s2], $0x80, v3, vm0, $0xb8;
	[tilespmem:$0x11000] =	vst v63  }
0xf6: {  	s20 =	rddreg [dreg:$0x19]  }
0xf7: {  	[tilespmem:s20], [sflag:$0x1] =	stream.indirect_vreg.gather [hbm4b:s12+s2], $0x80, v3, vm0, $0xb8;
	[tilespmem:$0x11000] =	vst v63  }
0xf8: {  	s21 =	rddreg [dreg:$0x1a]  }
0xf9: {  	[tilespmem:s21], [sflag:$0x1] =	stream.indirect_vreg.gather [hbm4b:s13+s2], $0x80, v3, vm0, $0xb8;
	[tilespmem:$0x11000] =	vst v63  }
0xfa: {  	_ = 	snop  }
0xfb: {  	[tilespmem:s24], [sflag:$0x1] =	stream.indirect_vreg.gather [hbm4b:s14+s2], $0x80, v3, vm0, $0xb8;
	[tilespmem:$0x11000] =	vst v63  }
0xfc: {  	_ = 	snop  }
0xfd: {  	[tilespmem:s25], [sflag:$0x1] =	stream.indirect_vreg.gather [hbm4b:s15+s2], $0x80, v3, vm0, $0xb8;
	[tilespmem:$0x11000] =	vst v63  }
0xfe: {  	_ = 	snop  }
0xff: {  	[tilespmem:s26], [sflag:$0x1] =	stream.indirect_vreg.gather [hbm4b:s16+s2], $0x80, v3, vm0, $0xb8;
	[tilespmem:$0x11000] =	vst v63  }
0x100: {  	_ = 	snop  }
0x101: {  	[tilespmem:s28], [sflag:$0x1] =	stream.indirect_vreg.gather [hbm4b:s17+s2], $0x80, v3, vm0, $0xb8;
	[tilespmem:$0x11000] =	vst v63  }
0x102: {  	_ = 	snop  }
0x103: {  	[tilespmem:s29], [sflag:$0x1] =	stream.indirect_vreg.gather [hbm4b:s18+s2], $0x80, v3, vm0, $0xb8;
	[tilespmem:$0x11000] =	vst v63  }
0x104: {  	_ = 	snop  }
0x105: {  	[tilespmem:s30], [sflag:$0x1] =	stream.indirect_vreg.gather [hbm4b:s19+s2], $0x80, v3, vm0, $0xb8;
	[tilespmem:$0x11000] =	vst v63  }
0x106: {  	_ =	swait.ge [sflag:s31], $0x10000  }
0x107: {  	[sflag:s31] =	ssyncset.done $0x0  }
0x108: {  	[sflag:s31] =	ssyncadd.s32 $0xFFFF0000  }
0x109: {  	[hbm4b:s1+s2] =	stream.linear.scatter [tilespmem:s23], [sflag:$0x2], $0x10000, $0x38;
	[tilespmem:$0x11000] =	vst v63  }
0x10a: {  	_ =	swait.ge [sflag:s22], $0x10000  }
0x10b: {  	s20 =	rddreg [dreg:$0x1e]  }
0x10c: {  	s21 =	rddreg [dreg:$0x1c];
	s1 =	sadd.s32 $0x1, s20  }
0x10d: {  	p0 =	sne.s32 s1, s21  }
.Ltmp1:
0x10e: {  	_ = 	snop;
	(pc) =	sbr.rel @p0 .LBB2_1-.Ltmp1, $3  }
0x10f: {  	_ =	sdelay $0x1  }
0x110: {  	[sflag:s22] =	ssyncset.done $0x0  }
0x111: {  	[sflag:s22] =	ssyncadd.s32 $0xFFFF0000  }
0x112: {  	_ =	sfence.sel $0x180000  }
0x113: {  	[bflag:$0x0] =	sbarrier.arrive $0xFFFF  }
0x114: {  	_ =	strace $0x9000004A  }
0x115: {  	s0 =	stileid.u32;
	[bflag:$0x2] =	sbarrier.arrive $0xFFFF  }
0x116: {  	p0 =	sne.s32 s0, $0x0;
	s0 =	rddreg [dreg:$0x1]  }
0x117: {  	s0 =	sadd.s32 @!p0 $0x100000, s0  }
0x118: {  	[sflag:s0] =	ssyncadd.tile.s32 @!p0 $0x1;
	_ =	shalt  }
.Lfunc_end2:
_tile_overlayer_lowered:
.L_overlay_start_2:
0x119: {  	(tag) =	ssettag $0x2  }
0x11a: {  	s0 =	rddreg [dreg:$0x0];
	s2 =	stileid.u32  }
0x11b: {  	s1 =	rddreg [dreg:$0x1];
	p0 =	sne.s32 s2, $0x0  }
0x11c: {  	s3 =	rddreg [dreg:$0x2];
	[bflag:$0x3] =	sbarrier.arrive $0xFFFF;
	s2 =	simm.s32 @!p0 $0x1C02  }
0x11d: {  	[timem:s3], [sflag:s2] =	dma.local @!p0 [hbm:s0], s1  }
0x11e: {  	s0 =	simm.s32 @!p0 $0x2  }
0x11f: {  	_ =	swait.ge @!p0 [sflag:s0], s1  }
0x120: {  	s1 =	ssub.s32 @!p0 $0x0, s1;
	[sflag:s0] =	ssyncset.done @!p0 $0x0  }
0x121: {  	[sflag:s0] =	ssyncadd.s32 @!p0 s1  }
0x122: {  	[bflag:$0x3] =	sbarrier.arrive $0xFFFF  }
0x123: {  	_ =	shalt  }

// kernel: sparse-core-data-format-call.1.cloned.1.call-start
scs
called_computation.1_lowered:
.L_overlay_start_0:
0x0: {  	s2 =	sld [smem:$0x3FD9]  }
0x1: {  	s3 =	sld [smem:$0x3FFE];
	_ =	sdelay $0x1  }
0x2: {  	s1 =	srdreg.scid  }
0x3: {  	s0 =	sand.u32 $0x1, s1  }
0x4: {  	s18 =	sshll.u32 s0, $0xA;
	s2 =	sadd.s32 s3, s2  }
0x5: {  	s2 =	sadd.s32 s2, s18  }
0x6: {  	[smem:$0x3FC4] =	sst s2  }
0x7: {  	_ = 	snop  }
0x8: {  	s2 =	sld [smem:$0x3FC7];
	(tm) =	ssettm $0x1  }
0x9: {  	s19 =	sld [smem:$0x3FFB];
	_ =	sdelay $0x3  }
0xa: {  	_ =	strace s19  }
0xb: {  	s3 =	sld [smem:$0x3FFC];
	_ =	sdelay $0x3  }
0xc: {  	_ =	strace s3  }
0xd: {  	s3 =	sld [smem:$0x3FFD];
	_ =	sdelay $0x3  }
0xe: {  	_ =	strace s3  }
0xf: {  	_ =	strace $0x8FFFFFFF  }
0x10: {  	s20 =	sld [smem:$0x3FDB];
	_ =	sdelay $0x1  }
0x11: {  	s4 =	simm.s32 $_scs_section_size  }
0x12: {  	s5 =	simm.s32 $_size__tile_overlayer_lowered;
	s6 =	simm.s32 $_tile_overlayer_lowered  }
0x13: {  	s23 =	simm.s32 $0x1BFF;
	s22 =	sshll.u32 s6, $0x1;
	s3 =	sadd.s32 s4, s20  }
0x14: {  	s7 =	simm.s32 $0x0;
	s21 =	sshll.u32 s5, $0x1;
	s5 =	sadd.s32 s22, s3  }
0x15: {  	[timem:s7], [sflag:s23] =	dma.local [hbm:s5], s21  }
0x16: {  	_ =	swait.ge [sflag:s23], s21  }
0x17: {  	s4 =	ssub.s32 $0x0, s21;
	[sflag:s23] =	ssyncset.done $0x0  }
0x18: {  	[sflag:s23] =	ssyncadd.s32 s4;
	_ =	sdelay $0x1  }
0x19: {  	s24 =	simm.s32 $0x1B8B  }
0x1a: {  	_ =	swait.ge [sflag:s24], $0x1  }
0x1b: {  	[sflag:s24] =	ssyncset.done $0x0  }
0x1c: {  	s26 =	simm.s32 $0x1B8E;
	s25 =	sld [smem:$0x3FFE];
	[sflag:s24] =	ssyncadd.s32 $0xFFFFFFFF  }
0x1d: {  	s27 =	simm.s32 $execute0_lowered;
	[smem:$0x3FD2] =	sst s26  }
0x1e: {  	s5 =	sshll.u32 s27, $0x1;
	_ =	strace $0x80000046;
	[dreg:$0x1] =	wrdreg $0xFFFFFFFF  }
0x1f: {  	s28 =	simm.s32 $_size_execute0_lowered;
	s3 =	sadd.s32 s3, s5;
	[dreg:$0x0] =	wrdreg $0x0  }
0x20: {  	s5 =	sshll.u32 s28, $0x1;
	[dreg:$0x2] =	wrdreg s3  }
0x21: {  	[dreg:$0x3] =	wrdreg s5  }
0x22: {  	[dreg:$0x4] =	wrdreg $0xC0  }
0x23: {  	_ =	task [dreg:s7], $0x5FFFF  }
0x24: {  	[dreg:$0x1] =	wrdreg $0xFFFFFFFF  }
0x25: {  	[dreg:$0x0] =	wrdreg $0x60  }
0x26: {  	[dreg:$0x2] =	wrdreg s2  }
0x27: {  	[dreg:$0x3] =	wrdreg s25  }
0x28: {  	[dreg:$0x4] =	wrdreg $0x9  }
0x29: {  	_ =	task.clear_ibuf [dreg:s7], $0x5FFFF;
	_ =	strace $0x90000046  }
0x2a: {  	s29 =	simm.s32 $0x9;
	_ =	strace $0x80000048  }
0x2b: {  	_ =	swait.ge [sflag:s29], $0x1  }
0x2c: {  	[sflag:s29] =	ssyncadd.s32 $0xFFFFFFFF  }
0x2d: {  	_ =	strace $0x90000048  }
0x2e: {  	_ =	sfence  }
0x2f: {  	s30 =	sld [smem:$0x0];
	_ =	sdelay $0x2  }
0x30: {  	s31 =	sshll.u32 s1, $0xD;
	s1 =	sshrl.u32 s1, $0x2  }
0x31: {  	s3 =	sand.u32 $0x4000, s31;
	s1 =	sadd.s32 s1, s30  }
0x32: {  	s0 =	sor.u32 s3, s0;
	s1 =	sshll.u32 s1, $0x11  }
0x33: {  	s0 =	sor.u32 s1, s0  }
0x34: {  	s0 =	sadd.s32 $0x8F2B, s0  }
0x35: {  	[sflag:s0] =	ssyncadd.remote.s32 $0x1  }
0x36: {  	_ =	sfence.sel $0xFFFF  }
0x37: {  	[dreg:$0x0] =	wrdreg $0xFFFFFFFF;
	(pc) =	sbr.abs _section_cstart, $3  }
0x38: {  	[dreg:$0x1] =	wrdreg $0xFFFFFFFF  }
0x39: {  	_ =	task.clear_ibuf [dreg:s7], $0x2FFFF;
	_ =	strace $0x9FFFFFFF  }
0x3a: {  	(tm) =	ssettm $0x7FFFFFFF  }
0x3b: {  	_ =	shalt  }
tec
execute0_lowered:
.L_overlay_start_1:
0x0: {  	(tag) =	ssettag $0x1  }
0x1: {  	s0 =	srdreg.scid;
	s6 =	rddreg [dreg:$0x0]  }
0x2: {  	s5 =	rddreg [dreg:$0x1];
	s1 =	stileid.u32;
	s30 =	simm.s32 $0x2  }
0x3: {  	s13 =	simm.s32 $0x0;
	s9 =	simm.s32 $0x400;
	s0 =	sshll.u32 s0, $0x2  }
0x4: {  	s10 =	simm.s32 $0x0;
	s14 =	simm.s32 $0x0;
	s2 =	sand.u32 $0x4, s0  }
0x5: {  	s11 =	stileid.u32;
	s12 =	simm.s32 $0x0;
	s3 =	ssub.s32 $0x8, s2  }
0x6: {  	s7 =	ssub.s32 $0x1879, s1;
	s0 =	rddreg [dreg:$0x2];
	s4 =	sshrl.u32 s3, $0x2  }
.Ltmp0:
0x7: {  	s8 =	sshrl.u32 s3, $0x3;
	s4 =	sand.u32 $0x1, s4;
	(pc) =	sbr.rel .LBB1_1-.Ltmp0, $4  }
0x8: {  	_ =	strace $0x80000047;
	s7 =	sshrl.u32 s7, $0x4;
	s4 =	sadd.s32 s8, s4  }
0x9: {  	s31 =	sshll.u32 s2, $0x9;
	s3 =	simm.s32 $0x1;
	s4 =	smul.u32 s7, s4  }
0xa: {  	s5 =	sadd.s32 $0x1A00, s5;
	s6 =	sadd.s32 s6, s31;
	[sflag:s3] =	ssyncpa.u1 $0x0  }
0xb: {  	[sflag:s30] =	ssyncpa.u1 $0x0;
	s8 =	simm.s32 $0x200;
	s7 =	sadd.s32 $0x1, s4  }
.LBB1_7:
0xc: {  	s15 =	sadd.s32 $0x10, s11  }
0xd: {  	p1 =	sgt.s32 s15, $0x1869  }
0xe: {  	s15 =	smov.u32 @p1 s1;
	p1 =	sne.s32 s12, s7  }
.Ltmp1:
0xf: {  	p0 =	slt.u32 s12, $0x2;
	(pc) =	sbr.rel @!p1 .LBB1_8-.Ltmp1, $4  }
0x10: {  	s13 =	simm.s32 @!p0 $0x2  }
0x11: {  	s16 =	sadd.s32 $0x1, s12;
	s14 =	smov.u32 s11;
	_ =	swait.ge @!p0 [sflag:s13], $0x4000  }
0x12: {  	s10 =	sadd.s32 $0x4000, s10;
	s12 =	smov.u32 s16;
	[sflag:s13] =	ssyncset.done @!p0 $0x0  }
0x13: {  	s11 =	smov.u32 s15;
	[sflag:s13] =	ssyncadd.s32 @!p0 $0xFFFFC000;
	s13 =	smov.u32 s2  }
.LBB1_1:
0x14: {  	p0 =	sge.u32 s12, s4  }
0x15: {  	s15 =	sxor.u32 @!p0 $0xFFFFFFFF, s12  }
0x16: {  	s31 =	sadd.s32 $0xFFFFFFFF, s12;
	s16 =	sshll.u32 @!p0 s11, $0xC;
	s15 =	sshll.u32 @!p0 s15, $0xE  }
0x17: {  	s17 =	simm.s32 @!p0 $0x0;
	s16 =	sadd.s32 @!p0 s16, s6;
	s15 =	sand.u32 @!p0 $0x4000, s15  }
0x18: {  	[tilespmem:s15], [sflag:$0x1] =	stream.linear.gather @!p0 [hbm4b:s16+s17], $0x4000, $0x38;
	[tilespmem:$0x10000] =	vst v63  }
0x19: {  	p0 =	sge.u32 s31, s4  }
.Ltmp2:
0x1a: {  	_ = 	snop;
	(pc) =	sbr.rel @p0 .LBB1_7-.Ltmp2, $1  }
0x1b: {  	_ =	sdelay $0x3  }
0x1c: {  	s16 =	sand.u32 $0x4000, s10  }
0x1d: {  	_ =	swait.ge [sflag:s3], $0x4000;
	s18 =	sshll.u32 s12, $0xE;
	s15 =	sor.u32 $0x8040, s16  }
0x1e: {  	s17 =	sor.u32 $0x40, s16;
	[sflag:s3] =	ssyncset.done $0x0;
	s31 =	sand.u32 $0x4000, s18  }
0x1f: {  	s18 =	simm.s32 $0x0;
	[sflag:s3] =	ssyncadd.s32 $0xFFFFC000;
	s16 =	sor.u32 $0x8000, s31  }
.LBB1_3:
0x20: {  	v0 =	vmov s17;
	_ =	sdelay $0x3  }
0x21: {  	s20 =	simm.s32 $0x0  }
0x22: {  	v6 =	vld.idx.msk [tilespmem:v0+s20+$0x30 ss:$0x1], $0xffff  }
0x23: {  	v7 =	vld.idx.msk [tilespmem:v0+s20+$0xFFFFFFC0 ss:$0x1], $0xffff  }
0x24: {  	v5 =	vld.idx.msk [tilespmem:v0+s20+$0xFFFFFFD0 ss:$0x1], $0xffff  }
0x25: {  	v4 =	vld.idx.msk [tilespmem:v0+s20+$0xFFFFFFE0 ss:$0x1], $0xffff  }
0x26: {  	v3 =	vld.idx.msk [tilespmem:v0+s20+$0xFFFFFFF0 ss:$0x1], $0xffff  }
0x27: {  	v1 =	vld.idx.msk [tilespmem:v0+s20+$0x0 ss:$0x1], $0xffff  }
0x28: {  	v2 =	vld.idx.msk [tilespmem:v0+s20+$0x10 ss:$0x1], $0xffff;
	[tilespmem:s15+$0x30] =	vst v6  }
0x29: {  	s19 =	simm.s32 $0x80;
	s21 =	simm.s32 $0x400;
	[tilespmem:s15+$0xFFFFFFC0] =	vst v7;
	v6 =	vld.idx.msk [tilespmem:v0+s20+$0x20 ss:$0x1], $0xffff;
	s20 =	smov.u32 s15  }
.LBB1_4:
0x2a: {  	p0 =	sne.s32 s21, $0x3E00;
	v7 =	vld.idx.msk [tilespmem:v0+s19+$0x30 ss:$0x1], $0xffff;
	[tilespmem:s20+$0xFFFFFFD0] =	vst v5  }
0x2b: {  	v8 =	vld.idx.msk [tilespmem:v0+s19+$0xFFFFFFC0 ss:$0x1], $0xffff;
	[tilespmem:s20+$0xFFFFFFE0] =	vst v4  }
0x2c: {  	v5 =	vld.idx.msk [tilespmem:v0+s19+$0xFFFFFFD0 ss:$0x1], $0xffff;
	[tilespmem:s20+$0xFFFFFFF0] =	vst v3  }
.Ltmp3:
0x2d: {  	v4 =	vld.idx.msk [tilespmem:v0+s19+$0xFFFFFFE0 ss:$0x1], $0xffff;
	[tilespmem:s20+$0x0] =	vst v1;
	(pc) =	sbr.rel @p0 .LBB1_4-.Ltmp3, $4  }
0x2e: {  	v3 =	vld.idx.msk [tilespmem:v0+s19+$0xFFFFFFF0 ss:$0x1], $0xffff;
	[tilespmem:s20+$0x10] =	vst v2  }
0x2f: {  	v1 =	vld.idx.msk [tilespmem:v0+s19+$0x0 ss:$0x1], $0xffff;
	[tilespmem:s20+$0x20] =	vst v6;
	s20 =	sadd.s32 $0x200, s20  }
0x30: {  	v2 =	vld.idx.msk [tilespmem:v0+s19+$0x10 ss:$0x1], $0xffff;
	[tilespmem:s20+$0x30] =	vst v7  }
0x31: {  	[tilespmem:s20+$0xFFFFFFC0] =	vst v8;
	v6 =	vld.idx.msk [tilespmem:v0+s19+$0x20 ss:$0x1], $0xffff;
	s19 =	sshra.s32 s21, $0x2;
	s21 =	sadd.s32 $0x200, s21  }
0x32: {  	_ =	sdelay $0x2  }
0x33: {  	[tilespmem:s20+$0xFFFFFFD0] =	vst v5  }
0x34: {  	v56 =	vld.idx.msk [tilespmem:v0+s19+$0x30 ss:$0x1], $0xffff;
	[tilespmem:s20+$0xFFFFFFE0] =	vst v4  }
0x35: {  	v57 =	vld.idx.msk [tilespmem:v0+s19+$0xFFFFFFC0 ss:$0x1], $0xffff;
	[tilespmem:s20+$0xFFFFFFF0] =	vst v3  }
0x36: {  	v58 =	vld.idx.msk [tilespmem:v0+s19+$0xFFFFFFD0 ss:$0x1], $0xffff;
	[tilespmem:s20+$0x0] =	vst v1  }
0x37: {  	v59 =	vld.idx.msk [tilespmem:v0+s19+$0xFFFFFFE0 ss:$0x1], $0xffff;
	[tilespmem:s20+$0x10] =	vst v2  }
0x38: {  	v60 =	vld.idx.msk [tilespmem:v0+s19+$0xFFFFFFF0 ss:$0x1], $0xffff;
	s31 =	sadd.s32 $0x200, s20;
	[tilespmem:s20+$0x20] =	vst v6  }
0x39: {  	v61 =	vld.idx.msk [tilespmem:v0+s19+$0x0 ss:$0x1], $0xffff;
	[tilespmem:s31+$0x30] =	vst v56  }
0x3a: {  	v62 =	vld.idx.msk [tilespmem:v0+s19+$0x10 ss:$0x1], $0xffff;
	s18 =	sadd.s32 $0x1, s18;
	[tilespmem:s31+$0xFFFFFFC0] =	vst v57  }
0x3b: {  	v63 =	vld.idx.msk [tilespmem:v0+s19+$0x20 ss:$0x1], $0xffff;
	p0 =	sne.s32 s18, $0x4;
	[tilespmem:s31+$0xFFFFFFD0] =	vst v58  }
.Ltmp4:
0x3c: {  	[tilespmem:s31+$0xFFFFFFE0] =	vst v59;
	(pc) =	sbr.rel @p0 .LBB1_3-.Ltmp4, $4  }
0x3d: {  	[tilespmem:s31+$0xFFFFFFF0] =	vst v60  }
0x3e: {  	[tilespmem:s31+$0x0] =	vst v61  }
0x3f: {  	[tilespmem:s31+$0x10] =	vst v62  }
0x40: {  	s15 =	sadd.s32 $0x80, s15;
	s17 =	sadd.s32 $0x1000, s17;
	[tilespmem:s31+$0x20] =	vst v63  }
.Ltmp5:
0x41: {  	(pc) =	sbr.rel .LBB1_7-.Ltmp5, $4  }
0x42: {  	s14 =	sshll.u32 s14, $0xC  }
0x43: {  	s13 =	sshll.u32 s13, $0x4;
	s14 =	sadd.s32 s5, s14  }
0x44: {  	s13 =	sadd.s32 s13, s14  }
0x45: {  	[hbm4b:s13+s8] =	stream.strided.scatter [tilespmem:s16], [sflag:$0x2], $0x4000, s9, s8, $0x38;
	[tilespmem:$0x10000] =	vst v63  }
.LBB1_8:
0x46: {  	_ =	sfence.sel $0x180000  }
0x47: {  	s2 =	simm.s32 $0x1;
	[bflag:$0x0] =	sbarrier.arrive $0xFFFF  }
0x48: {  	s31 =	simm.s32 $0x2;
	[sflag:s2] =	ssyncpa.u1 $0x1  }
0x49: {  	[sflag:s31] =	ssyncpa.u1 $0x1  }
0x4a: {  	p0 =	sne.s32 s1, $0x0;
	_ =	strace $0x90000047  }
0x4b: {  	s0 =	sadd.s32 @!p0 $0x100000, s0;
	[bflag:$0x2] =	sbarrier.arrive $0xFFFF  }
0x4c: {  	[sflag:s0] =	ssyncadd.tile.s32 @!p0 $0x1;
	_ =	shalt  }
.Lfunc_end1:
_tile_overlayer_lowered:
.L_overlay_start_2:
0x4d: {  	(tag) =	ssettag $0x2  }
0x4e: {  	s0 =	rddreg [dreg:$0x0];
	s2 =	stileid.u32  }
0x4f: {  	s1 =	rddreg [dreg:$0x1];
	p0 =	sne.s32 s2, $0x0  }
0x50: {  	s3 =	rddreg [dreg:$0x2];
	[bflag:$0x3] =	sbarrier.arrive $0xFFFF;
	s2 =	simm.s32 @!p0 $0x1C01  }
0x51: {  	[timem:s3], [sflag:s2] =	dma.local @!p0 [hbm:s0], s1  }
0x52: {  	s0 =	simm.s32 @!p0 $0x1  }
0x53: {  	_ =	swait.ge @!p0 [sflag:s0], s1  }
0x54: {  	s1 =	ssub.s32 @!p0 $0x0, s1;
	[sflag:s0] =	ssyncset.done @!p0 $0x0  }
0x55: {  	[sflag:s0] =	ssyncadd.s32 @!p0 s1  }
0x56: {  	[bflag:$0x3] =	sbarrier.arrive $0xFFFF  }
0x57: {  	_ =	shalt  }

// kernel: sparse-core-data-format-call.cloned.1.call-start
scs
called_computation_lowered:
.L_overlay_start_0:
0x0: {  	s1 =	sld [smem:$0x3FD9]  }
0x1: {  	s2 =	sld [smem:$0x3FFE];
	_ =	sdelay $0x1  }
0x2: {  	s3 =	srdreg.scid  }
0x3: {  	s0 =	sand.u32 $0x1, s3  }
0x4: {  	s17 =	sshll.u32 s0, $0xA;
	s1 =	sadd.s32 s2, s1  }
0x5: {  	s1 =	sadd.s32 s1, s17  }
0x6: {  	[smem:$0x3FC4] =	sst s1  }
0x7: {  	_ = 	snop  }
0x8: {  	(tm) =	ssettm $0x1  }
0x9: {  	s18 =	sld [smem:$0x3FFB];
	_ =	sdelay $0x3  }
0xa: {  	_ =	strace s18  }
0xb: {  	s1 =	sld [smem:$0x3FFC];
	_ =	sdelay $0x3  }
0xc: {  	_ =	strace s1  }
0xd: {  	s1 =	sld [smem:$0x3FFD];
	_ =	sdelay $0x3  }
0xe: {  	_ =	strace s1  }
0xf: {  	_ =	strace $0x8FFFFFFF  }
0x10: {  	s19 =	sld [smem:$0x3FDB];
	_ =	sdelay $0x1  }
0x11: {  	s20 =	simm.s32 $_scs_section_size  }
0x12: {  	s4 =	simm.s32 $_size__tile_overlayer_lowered;
	s5 =	simm.s32 $_tile_overlayer_lowered  }
0x13: {  	s23 =	simm.s32 $0x1BFF;
	s22 =	sshll.u32 s5, $0x1;
	s1 =	sadd.s32 s20, s19  }
0x14: {  	s6 =	simm.s32 $0x0;
	s21 =	sshll.u32 s4, $0x1;
	s4 =	sadd.s32 s22, s1  }
0x15: {  	[timem:s6], [sflag:s23] =	dma.local [hbm:s4], s21  }
0x16: {  	_ =	swait.ge [sflag:s23], s21  }
0x17: {  	s2 =	ssub.s32 $0x0, s21;
	[sflag:s23] =	ssyncset.done $0x0  }
0x18: {  	[sflag:s23] =	ssyncadd.s32 s2;
	_ =	sdelay $0x1  }
0x19: {  	s24 =	simm.s32 $0x1B8B  }
0x1a: {  	_ =	swait.ge [sflag:s24], $0x1  }
0x1b: {  	[sflag:s24] =	ssyncset.done $0x0  }
0x1c: {  	s26 =	simm.s32 $0x1B8E;
	s25 =	sld [smem:$0x3FFE];
	[sflag:s24] =	ssyncadd.s32 $0xFFFFFFFF  }
0x1d: {  	s27 =	simm.s32 $execute0_lowered;
	[smem:$0x3FD2] =	sst s26  }
0x1e: {  	s4 =	sshll.u32 s27, $0x1;
	_ =	strace $0x8000004C;
	[dreg:$0x1] =	wrdreg $0xFFFFFFFF  }
0x1f: {  	s28 =	simm.s32 $_size_execute0_lowered;
	s1 =	sadd.s32 s1, s4;
	[dreg:$0x0] =	wrdreg $0x0  }
0x20: {  	s4 =	sshll.u32 s28, $0x1;
	[dreg:$0x2] =	wrdreg s1  }
0x21: {  	[dreg:$0x3] =	wrdreg s4  }
0x22: {  	[dreg:$0x4] =	wrdreg $0xC0  }
0x23: {  	_ =	task [dreg:s6], $0x5FFFF  }
0x24: {  	[dreg:$0x1] =	wrdreg $0xFFFFFFFF  }
0x25: {  	[dreg:$0x0] =	wrdreg $0x60  }
0x26: {  	[dreg:$0x2] =	wrdreg s25  }
0x27: {  	[dreg:$0x3] =	wrdreg $0x9  }
0x28: {  	_ =	task.clear_ibuf [dreg:s6], $0x4FFFF;
	_ =	strace $0x9000004C  }
0x29: {  	s29 =	simm.s32 $0x9;
	_ =	strace $0x8000004E  }
0x2a: {  	_ =	swait.ge [sflag:s29], $0x1  }
0x2b: {  	[sflag:s29] =	ssyncadd.s32 $0xFFFFFFFF  }
0x2c: {  	_ =	strace $0x9000004E  }
0x2d: {  	_ =	sfence  }
0x2e: {  	s30 =	sld [smem:$0x0];
	_ =	sdelay $0x2  }
0x2f: {  	s31 =	sshll.u32 s3, $0xD;
	s3 =	sshrl.u32 s3, $0x2  }
0x30: {  	s2 =	sand.u32 $0x4000, s31;
	s1 =	sadd.s32 s3, s30  }
0x31: {  	s0 =	sor.u32 s2, s0;
	s1 =	sshll.u32 s1, $0x11  }
0x32: {  	s0 =	sor.u32 s1, s0  }
0x33: {  	s0 =	sadd.s32 $0x8F2B, s0  }
0x34: {  	[sflag:s0] =	ssyncadd.remote.s32 $0x1  }
0x35: {  	_ =	sfence.sel $0xFFFF  }
0x36: {  	[dreg:$0x0] =	wrdreg $0xFFFFFFFF;
	(pc) =	sbr.abs _section_cstart, $3  }
0x37: {  	[dreg:$0x1] =	wrdreg $0xFFFFFFFF  }
0x38: {  	_ =	task.clear_ibuf [dreg:s6], $0x2FFFF;
	_ =	strace $0x9FFFFFFF  }
0x39: {  	(tm) =	ssettm $0x7FFFFFFF  }
tec
execute0_lowered:
.L_overlay_start_1:
0x0: {  	(tag) =	ssettag $0x1  }
0x1: {  	s1 =	rddreg [dreg:$0x0]  }
0x2: {  	s0 =	rddreg [dreg:$0x1]  }
0x3: {  	_ =	strace $0x8000004D;
	s4 =	srdreg.scid;
	s6 =	simm.s32 $0x2  }
0x4: {  	s11 =	simm.s32 $0x0;
	p0 =	por $0x0, $0x0;
	s7 =	simm.s32 $0x1000  }
.Ltmp0:
0x5: {  	s12 =	simm.s32 $0x0;
	s9 =	simm.s32 $0x0;
	(pc) =	sbr.rel .LBB1_1-.Ltmp0, $4  }
0x6: {  	s2 =	sadd.s32 $0x1870A00, s1;
	s3 =	sadd.s32 $0x1A00, s1;
	s5 =	sshll.u32 s4, $0x4  }
0x7: {  	s1 =	stileid.u32;
	s4 =	simm.s32 $0x1;
	s5 =	sand.u32 $0x10, s5  }
0x8: {  	s8 =	simm.s32 $0x0;
	[sflag:s4] =	ssyncpa.u1 $0x0;
	s5 =	sor.u32 s1, s5  }
0x9: {  	[sflag:s6] =	ssyncpa.u1 $0x0;
	s6 =	simm.s32 $0x800;
	s10 =	smov.u32 s5  }
.LBB1_7:
0xa: {  	s13 =	sadd.s32 $0x10, s9  }
0xb: {  	s11 =	sadd.s32 $0x20, s10;
	s15 =	smov.u32 s10;
	p2 =	sgt.s32 s13, $0x1F  }
0xc: {  	p1 =	slt.u32 s8, $0x2;
	s15 =	smov.u32 @p2 s11  }
0xd: {  	s8 =	sadd.s32 $0x1, s8;
	s13 =	simm.s32 @p2 $0x0;
	p2 =	sgt.s32 s15, $0x7FF  }
0xe: {  	s15 =	smov.u32 @p2 s5;
	p2 =	sne.s32 s8, $0x82  }
.Ltmp1:
0xf: {  	_ = 	snop;
	(pc) =	sbr.rel @!p2 .LBB1_8-.Ltmp1, $4  }
0x10: {  	s14 =	simm.s32 @!p1 $0x2  }
0x11: {  	s12 =	smov.u32 s10;
	_ =	swait.ge @!p1 [sflag:s14], $0x4000  }
0x12: {  	p0 =	por !p0, !p0;
	s11 =	smov.u32 s9;
	[sflag:s14] =	ssyncset.done @!p1 $0x0  }
0x13: {  	s9 =	smov.u32 s13;
	[sflag:s14] =	ssyncadd.s32 @!p1 $0xFFFFC000;
	s10 =	smov.u32 s15  }
.LBB1_1:
0x14: {  	p1 =	sgt.u32 s8, $0x7F  }
0x15: {  	s13 =	sxor.u32 @!p1 $0xFFFFFFFF, s8;
	s14 =	sshll.u32 @!p1 s10, $0xC  }
0x16: {  	s15 =	sshll.u32 @!p1 s9, $0x7;
	s13 =	sshll.u32 @!p1 s13, $0xE;
	s14 =	sadd.s32 @!p1 s2, s14  }
0x17: {  	s13 =	sand.u32 @!p1 $0x4000, s13;
	s14 =	sadd.s32 @!p1 s15, s14;
	s15 =	simm.s32 @!p1 $0x0  }
0x18: {  	[tilespmem:s13], [sflag:$0x1] =	stream.linear.gather @!p1 [hbm4b:s14+s15], $0x4000, $0x38;
	[tilespmem:$0x10000] =	vst v63  }
0x19: {  	p1 =	seq.s32 s8, $0x0  }
0x1a: {  	p2 =	seq.s32 @!p1 s8, $0x81  }
0x1b: {  	p1 =	por p1, p2  }
.Ltmp2:
0x1c: {  	_ = 	snop;
	(pc) =	sbr.rel @p1 .LBB1_7-.Ltmp2, $1  }
0x1d: {  	_ =	sdelay $0x3  }
0x1e: {  	s13 =	simm.s32 $0x1;
	_ =	swait.ge [sflag:s4], $0x4000;
	s16 =	sshll.u32 s8, $0xE  }
0x1f: {  	s13 =	simm.s32 @!p0 $0x0;
	[sflag:s4] =	ssyncset.done $0x0;
	s31 =	sand.u32 $0x4000, s16  }
0x20: {  	s16 =	simm.s32 $0x0;
	s14 =	sshll.u32 s13, $0xE;
	[sflag:s4] =	ssyncadd.s32 $0xFFFFC000  }
0x21: {  	s13 =	sor.u32 $0x8040, s14;
	s15 =	sor.u32 $0x40, s14;
	s14 =	sor.u32 $0x8000, s31  }
.LBB1_3:
0x22: {  	v0 =	vmov s15;
	_ =	sdelay $0x3  }
0x23: {  	s18 =	simm.s32 $0x0  }
0x24: {  	v6 =	vld.idx.msk [tilespmem:v0+s18+$0x30 ss:$0x1], $0xffff  }
0x25: {  	v7 =	vld.idx.msk [tilespmem:v0+s18+$0xFFFFFFC0 ss:$0x1], $0xffff  }
0x26: {  	v5 =	vld.idx.msk [tilespmem:v0+s18+$0xFFFFFFD0 ss:$0x1], $0xffff  }
0x27: {  	v4 =	vld.idx.msk [tilespmem:v0+s18+$0xFFFFFFE0 ss:$0x1], $0xffff  }
0x28: {  	v3 =	vld.idx.msk [tilespmem:v0+s18+$0xFFFFFFF0 ss:$0x1], $0xffff  }
0x29: {  	v1 =	vld.idx.msk [tilespmem:v0+s18+$0x0 ss:$0x1], $0xffff  }
0x2a: {  	v2 =	vld.idx.msk [tilespmem:v0+s18+$0x10 ss:$0x1], $0xffff;
	[tilespmem:s13+$0x30] =	vst v6  }
0x2b: {  	s17 =	simm.s32 $0x80;
	s19 =	simm.s32 $0x400;
	[tilespmem:s13+$0xFFFFFFC0] =	vst v7;
	v6 =	vld.idx.msk [tilespmem:v0+s18+$0x20 ss:$0x1], $0xffff;
	s18 =	smov.u32 s13  }
.LBB1_4:
0x2c: {  	p1 =	sne.s32 s19, $0xE00;
	v7 =	vld.idx.msk [tilespmem:v0+s17+$0x30 ss:$0x1], $0xffff;
	[tilespmem:s18+$0xFFFFFFD0] =	vst v5  }
0x2d: {  	v8 =	vld.idx.msk [tilespmem:v0+s17+$0xFFFFFFC0 ss:$0x1], $0xffff;
	[tilespmem:s18+$0xFFFFFFE0] =	vst v4  }
0x2e: {  	v5 =	vld.idx.msk [tilespmem:v0+s17+$0xFFFFFFD0 ss:$0x1], $0xffff;
	[tilespmem:s18+$0xFFFFFFF0] =	vst v3  }
.Ltmp3:
0x2f: {  	v4 =	vld.idx.msk [tilespmem:v0+s17+$0xFFFFFFE0 ss:$0x1], $0xffff;
	[tilespmem:s18+$0x0] =	vst v1;
	(pc) =	sbr.rel @p1 .LBB1_4-.Ltmp3, $4  }
0x30: {  	v3 =	vld.idx.msk [tilespmem:v0+s17+$0xFFFFFFF0 ss:$0x1], $0xffff;
	[tilespmem:s18+$0x10] =	vst v2  }
0x31: {  	v1 =	vld.idx.msk [tilespmem:v0+s17+$0x0 ss:$0x1], $0xffff;
	[tilespmem:s18+$0x20] =	vst v6;
	s18 =	sadd.s32 $0x800, s18  }
0x32: {  	v2 =	vld.idx.msk [tilespmem:v0+s17+$0x10 ss:$0x1], $0xffff;
	[tilespmem:s18+$0x30] =	vst v7  }
0x33: {  	[tilespmem:s18+$0xFFFFFFC0] =	vst v8;
	v6 =	vld.idx.msk [tilespmem:v0+s17+$0x20 ss:$0x1], $0xffff;
	s17 =	sshra.s32 s19, $0x2;
	s19 =	sadd.s32 $0x200, s19  }
0x34: {  	_ =	sdelay $0x2  }
0x35: {  	[tilespmem:s18+$0xFFFFFFD0] =	vst v5  }
0x36: {  	v56 =	vld.idx.msk [tilespmem:v0+s17+$0x30 ss:$0x1], $0xffff;
	[tilespmem:s18+$0xFFFFFFE0] =	vst v4  }
0x37: {  	v57 =	vld.idx.msk [tilespmem:v0+s17+$0xFFFFFFC0 ss:$0x1], $0xffff;
	[tilespmem:s18+$0xFFFFFFF0] =	vst v3  }
0x38: {  	v58 =	vld.idx.msk [tilespmem:v0+s17+$0xFFFFFFD0 ss:$0x1], $0xffff;
	[tilespmem:s18+$0x0] =	vst v1  }
0x39: {  	v59 =	vld.idx.msk [tilespmem:v0+s17+$0xFFFFFFE0 ss:$0x1], $0xffff;
	[tilespmem:s18+$0x10] =	vst v2  }
0x3a: {  	v60 =	vld.idx.msk [tilespmem:v0+s17+$0xFFFFFFF0 ss:$0x1], $0xffff;
	s31 =	sadd.s32 $0x800, s18;
	[tilespmem:s18+$0x20] =	vst v6  }
0x3b: {  	v61 =	vld.idx.msk [tilespmem:v0+s17+$0x0 ss:$0x1], $0xffff;
	[tilespmem:s31+$0x30] =	vst v56  }
0x3c: {  	v62 =	vld.idx.msk [tilespmem:v0+s17+$0x10 ss:$0x1], $0xffff;
	s16 =	sadd.s32 $0x1, s16;
	[tilespmem:s31+$0xFFFFFFC0] =	vst v57  }
0x3d: {  	v63 =	vld.idx.msk [tilespmem:v0+s17+$0x20 ss:$0x1], $0xffff;
	p1 =	sne.s32 s16, $0x10;
	[tilespmem:s31+$0xFFFFFFD0] =	vst v58  }
.Ltmp4:
0x3e: {  	[tilespmem:s31+$0xFFFFFFE0] =	vst v59;
	(pc) =	sbr.rel @p1 .LBB1_3-.Ltmp4, $4  }
0x3f: {  	[tilespmem:s31+$0xFFFFFFF0] =	vst v60  }
0x40: {  	[tilespmem:s31+$0x0] =	vst v61  }
0x41: {  	[tilespmem:s31+$0x10] =	vst v62  }
0x42: {  	s13 =	sadd.s32 $0x80, s13;
	s15 =	sadd.s32 $0x400, s15;
	[tilespmem:s31+$0x20] =	vst v63  }
.Ltmp5:
0x43: {  	(pc) =	sbr.rel .LBB1_7-.Ltmp5, $4  }
0x44: {  	s12 =	sshll.u32 s12, $0xC;
	s11 =	sshll.u32 s11, $0x4  }
0x45: {  	s11 =	sand.u32 $0x1F0, s11;
	s12 =	sadd.s32 s3, s12  }
0x46: {  	s11 =	sadd.s32 s11, s12  }
0x47: {  	[hbm4b:s11+s6] =	stream.strided.scatter [tilespmem:s14], [sflag:$0x2], $0x4000, s7, s6, $0x38;
	[tilespmem:$0x10000] =	vst v63  }
.LBB1_8:
0x48: {  	_ =	sfence.sel $0x180000  }
0x49: {  	s2 =	simm.s32 $0x1;
	[bflag:$0x0] =	sbarrier.arrive $0xFFFF  }
0x4a: {  	s31 =	simm.s32 $0x2;
	[sflag:s2] =	ssyncpa.u1 $0x1  }
0x4b: {  	[sflag:s31] =	ssyncpa.u1 $0x1  }
0x4c: {  	p0 =	sne.s32 s1, $0x0;
	_ =	strace $0x9000004D  }
0x4d: {  	s0 =	sadd.s32 @!p0 $0x100000, s0;
	[bflag:$0x2] =	sbarrier.arrive $0xFFFF  }
0x4e: {  	[sflag:s0] =	ssyncadd.tile.s32 @!p0 $0x1;
	_ =	shalt  }
.Lfunc_end1:
_tile_overlayer_lowered:
.L_overlay_start_2:
0x4f: {  	(tag) =	ssettag $0x2  }
0x50: {  	s0 =	rddreg [dreg:$0x0];
	s2 =	stileid.u32  }
0x51: {  	s1 =	rddreg [dreg:$0x1];
	p0 =	sne.s32 s2, $0x0  }
0x52: {  	s3 =	rddreg [dreg:$0x2];
	[bflag:$0x3] =	sbarrier.arrive $0xFFFF;
	s2 =	simm.s32 @!p0 $0x1C01  }
0x53: {  	[timem:s3], [sflag:s2] =	dma.local @!p0 [hbm:s0], s1  }
0x54: {  	s0 =	simm.s32 @!p0 $0x1  }
0x55: {  	_ =	swait.ge @!p0 [sflag:s0], s1  }
0x56: {  	s1 =	ssub.s32 @!p0 $0x0, s1;
	[sflag:s0] =	ssyncset.done @!p0 $0x0  }
0x57: {  	[sflag:s0] =	ssyncadd.s32 @!p0 s1  }
0x58: {  	[bflag:$0x3] =	sbarrier.arrive $0xFFFF  }
0x59: {  	_ =	shalt  }

</sc_bundles>
